<compile_context>
chip_gen: v7x
topology: tpu7x:2x2x1
jax: 0.10.2.dev20260603
libtpu: 0.0.44.dev20260713+nightly
codegen_flags: <defaults>
</compile_context>

<pallas_src>
import functools
import jax
import jax.numpy as jnp
from jax import lax
from jax.experimental import pallas as pl
from jax.experimental.pallas import tpu as pltpu
from jax.experimental.pallas import tpu_sc as plsc

B = 4096
D = 16
NW = 32
RPW = B // NW
NCH = B // 16
BIG = 1e30


def _sqrt_babylon(x):
    y = 0.5 * (x + 1.0)
    for _ in range(12):
        y = 0.5 * (y + x / y)
    return y


def _sc_body(at_hbm, pt_hbm, out_hbm, pt_v, pen_v, na2_v, apml_v):
    core = lax.axis_index("c")
    sub = lax.axis_index("s")
    wid = sub * 2 + core
    base = wid * RPW

    pltpu.sync_copy(pt_hbm, pt_v)
    zero16 = jnp.zeros((16,), jnp.float32)

    def zero_pen(c, _):
        pen_v[pl.ds(c * 16, 16)] = zero16
        return 0
    lax.fori_loop(0, NCH, zero_pen, 0)

    def col_norm(c, _):
        acc = zero16
        for d in range(D):
            v = pt_v[d, pl.ds(c * 16, 16)]
            acc = acc + v * v
        na = _sqrt_babylon(acc)
        for d in range(D):
            pt_v[d, pl.ds(c * 16, 16)] = pt_v[d, pl.ds(c * 16, 16)] / na
        return 0
    lax.fori_loop(0, NCH, col_norm, 0)

    def row_norm(g, _):
        acc = zero16
        for d in range(D):
            v = apml_v[d, pl.ds(g * 16, 16)]
            acc = acc + v * v
        na2_v[pl.ds(g * 16, 16)] = _sqrt_babylon(acc)
        return 0
    pltpu.sync_copy(at_hbm.at[:, pl.ds(base, RPW)], apml_v.at[0:16, :])
    lax.fori_loop(0, RPW // 16, row_norm, 0)

    iota16 = lax.iota(jnp.int32, 16)

    def row_loop(r, _):
        gidx = base + r
        splats = []
        for d in range(D):
            idx0 = jnp.full((16,), d, jnp.int32)
            idx1 = jnp.full((16,), r, jnp.int32)
            splats.append(plsc.load_gather(apml_v, [idx0, idx1]))
        pn_i = plsc.load_gather(
            pt_v, [iota16, jnp.full((16,), gidx, jnp.int32)])
        a_vec = plsc.load_gather(
            apml_v, [iota16, jnp.full((16,), r, jnp.int32)])
        ap_raw = lax.reduce_sum_p.bind(a_vec * pn_i, axes=(0,))

        lane0 = iota16 == 0
        gidx_v = jnp.full((16,), gidx, jnp.int32)
        plsc.store_scatter(pen_v, [gidx_v],
                           jnp.full((16,), BIG, jnp.float32), mask=lane0)

        def chunk_loop(c, m):
            acc = splats[0] * pt_v[0, pl.ds(c * 16, 16)]
            for d in range(1, D):
                acc = acc + splats[d] * pt_v[d, pl.ds(c * 16, 16)]
            acc = acc + pen_v[pl.ds(c * 16, 16)]
            return jnp.minimum(m, acc)

        m = lax.fori_loop(0, NCH, chunk_loop,
                          jnp.full((16,), jnp.inf, jnp.float32))
        plsc.store_scatter(pen_v, [gidx_v], zero16, mask=lane0)
        min_raw = lax.reduce_min_p.bind(m, axes=(0,))
        r_v = jnp.full((16,), r, jnp.int32)
        plsc.store_scatter(apml_v, [jnp.full((16,), 16, jnp.int32), r_v],
                           jnp.full((16,), ap_raw, jnp.float32), mask=lane0)
        plsc.store_scatter(apml_v, [jnp.full((16,), 17, jnp.int32), r_v],
                           jnp.full((16,), min_raw, jnp.float32), mask=lane0)
        return 0

    lax.fori_loop(0, RPW, row_loop, 0)

    def loss_loop(g, _):
        ap = apml_v[16, pl.ds(g * 16, 16)]
        mn = apml_v[17, pl.ds(g * 16, 16)]
        inv = na2_v[pl.ds(g * 16, 16)]
        loss = jnp.maximum(1.0 + (ap - mn) / inv, 0.0)
        apml_v[18, pl.ds(g * 16, 16)] = loss
        return 0
    lax.fori_loop(0, RPW // 16, loss_loop, 0)
    pltpu.sync_copy(apml_v.at[18, :], out_hbm.at[pl.ds(base, RPW)])


def kernel(anchor, positive):
    at = anchor.T
    pt = positive.T
    mesh = plsc.VectorSubcoreMesh(core_axis_name="c", subcore_axis_name="s")
    losses = pl.kernel(
        _sc_body,
        mesh=mesh,
        compiler_params=pltpu.CompilerParams(needs_layout_passes=False),
        out_type=jax.ShapeDtypeStruct((B,), jnp.float32),
        scratch_types=[
            pltpu.VMEM((D, B), jnp.float32),
            pltpu.VMEM((B,), jnp.float32),
            pltpu.VMEM((RPW,), jnp.float32),
            pltpu.VMEM((19, RPW), jnp.float32),
        ],
    )(at, pt)
    return jnp.mean(losses)

# --- scband reference (transcript-rebuilt; emitter-appended) ---
"""Pipeline reference for scband-online-triplet-loss-1082331758628 (READ-ONLY COPY).

The authoritative reference and input builder live on the scoring server;
editing this copy changes nothing except your own understanding.
"""

import jax, jax.numpy as jnp
import numpy as np

MARGIN = 1.0


def setup_inputs(seed: int = 0) -> dict:
    key = jax.random.key(seed)
    k1, k2 = jax.random.split(key)
    anchor = jax.random.normal(k1, (4096, 16), dtype=jnp.float32)
    positive = jax.random.normal(k2, (4096, 16), dtype=jnp.float32)
    return {"anchor": anchor, "positive": positive}


def _cosine_similarity(a, b, eps=1e-8):
    na = jnp.maximum(jnp.linalg.norm(a, axis=1), eps)
    nb = jnp.maximum(jnp.linalg.norm(b, axis=1), eps)
    return jnp.sum(a * b, axis=1) / (na * nb)


def reference(anchor, positive):
    B, D = positive.shape
    # NegariveSampler.negative_samples
    a_n = anchor / jnp.linalg.norm(anchor, axis=1, keepdims=True)
    p_n = positive / jnp.linalg.norm(positive, axis=1, keepdims=True)
    dist = a_n @ p_n.T  # [B, B]
    mask = jnp.ones((B, B), jnp.float32) - jnp.eye(B, dtype=jnp.float32)
    dist = dist * mask
    dist = jnp.abs(dist - MARGIN) * mask
    dist = jnp.where(dist == 0.0, -jnp.inf, dist)
    # topk along dim=1, k=1 -> indices; gather normalized positives (quirky dim=0 torch.gather
    # on a [B,1,D]-expanded pos reduces to row-gather of normalized pos)
    idx = jax.lax.top_k(dist, 1)[1][:, 0]  # [B]
    neg = jnp.take(p_n, idx, axis=0)  # [B, D]
    # triplet loss
    ap = _cosine_similarity(anchor, positive)
    an = _cosine_similarity(anchor, neg)
    loss = jax.nn.relu(MARGIN + ap - an)
    return loss.mean()

if __name__ == "__main__":
    import jax
    _d = setup_inputs()
    print(jax.jit(kernel)(*tuple(_d.values())))

</pallas_src>

<mosaic_0001>
#map = affine_map<(d0, d1) -> (0, 0)>
#map1 = affine_map<(d0, d1) -> (0)>
module attributes {stable_mosaic.version = 14 : i64} {
  func.func @_sc_body(%arg0: i32, %arg1: i32, %arg2: memref<16x4096xf32, #tpu.memory_space<hbm>>, %arg3: memref<16x4096xf32, #tpu.memory_space<hbm>>, %arg4: memref<4096xf32, #tpu.memory_space<hbm>>, %arg5: memref<16x4096xf32, #tpu.memory_space<vmem>>, %arg6: memref<4096xf32, #tpu.memory_space<vmem>>, %arg7: memref<128xf32, #tpu.memory_space<vmem>>, %arg8: memref<19x128xf32, #tpu.memory_space<vmem>>) attributes {dimension_semantics = [#tpu.dimension_semantics<core_parallel>, #tpu.dimension_semantics<subcore_parallel>], iteration_bounds = array<i64: 2, 16>, scalar_prefetch = 0 : i64, scratch_operands = 4 : i64, tpu.core_type = #tpu.core_type<sc_vector_subcore>, window_params = [{transform_indices = #map}, {transform_indices = #map}, {transform_indices = #map1}]} {
    %mul3A = arith.constant 2 : i32
    %mul3A_0 = arith.muli %arg1, %mul3A : i32
    %add3A = arith.addi %mul3A_0, %arg0 : i32
    %mul3A_1 = arith.constant 128 : i32
    %mul3A_2 = arith.muli %add3A, %mul3A_1 : i32
    "tpu.region"() ({
      %run_scoped3A_38 = tpu.sem_alloc : memref<!tpu.dma_semaphore, #tpu.memory_space<semaphore_mem>>
      tpu.enqueue_dma source(%arg3 : memref<16x4096xf32, #tpu.memory_space<hbm>>) target(%arg5 : memref<16x4096xf32, #tpu.memory_space<vmem>>) target_semaphore(%run_scoped3A_38 : memref<!tpu.dma_semaphore, #tpu.memory_space<semaphore_mem>>)
      tpu.wait_dma2 semaphore(%run_scoped3A_38 : memref<!tpu.dma_semaphore, #tpu.memory_space<semaphore_mem>>) src(%arg3 : memref<16x4096xf32, #tpu.memory_space<hbm>>) dst(%arg5 : memref<16x4096xf32, #tpu.memory_space<vmem>>)
      tpu.yield
    }) : () -> ()
    %broadcast_in_dim3A = arith.constant 0.000000e+00 : f32
    %broadcast_in_dim3A_3 = vector.broadcast %broadcast_in_dim3A : f32 to vector<16xf32>
    %scan3A = arith.constant 0 : i32
    %scan3A_4 = arith.constant 0 : i32
    %scan3A_5 = arith.constant 256 : i32
    %scan3A_6 = arith.addi %scan3A_4, %scan3A_5 : i32
    %scan3A_7 = arith.constant 1 : i32
    %scan3A_8 = scf.for %scan3A_38 = %scan3A_4 to %scan3A_6 step %scan3A_7 iter_args(%scan3A_39 = %scan3A) -> (i32)  : i32 {
      %mul3A_40 = arith.constant 16 : i32
      %mul3A_41 = arith.muli %scan3A_38, %mul3A_40 : i32
      %swap3A = arith.index_cast %mul3A_41 : i32 to index
      %swap3A_42 = tpu.vector_load %arg6[%swap3A] {strides = array<i32>} : memref<4096xf32, #tpu.memory_space<vmem>>, vector<16xf32>,
      tpu.vector_store %arg6[%swap3A], %broadcast_in_dim3A_3 {strides = array<i32>} : memref<4096xf32, #tpu.memory_space<vmem>>, vector<16xf32>,
      %scan3A_43 = arith.constant 0 : i32
      scf.yield %scan3A_43 : i32
    }
    %scan3A_9 = arith.constant 256 : i32
    %scan3A_10 = arith.constant 0 : i32
    %scan3A_11 = arith.constant 0 : i32
    %scan3A_12 = arith.constant 256 : i32
    %scan3A_13 = arith.addi %scan3A_11, %scan3A_12 : i32
    %scan3A_14 = arith.constant 1 : i32
    %scan3A_15 = scf.for %scan3A_38 = %scan3A_11 to %scan3A_13 step %scan3A_14 iter_args(%scan3A_39 = %scan3A_10) -> (i32)  : i32 {
      %mul3A_40 = arith.constant 16 : i32
      %mul3A_41 = arith.muli %scan3A_38, %mul3A_40 : i32
      %get3A = arith.constant 0 : i32
      %get3A_42 = arith.index_cast %get3A : i32 to index
      %get3A_43 = arith.index_cast %mul3A_41 : i32 to index
      %get3A_44 = tpu.vector_load %arg5[%get3A_42, %get3A_43] {strides = array<i32>} : memref<16x4096xf32, #tpu.memory_space<vmem>>, vector<16xf32>,
      %mul3A_45 = arith.mulf %get3A_44, %get3A_44 : vector<16xf32>
      %add3A_46 = arith.addf %broadcast_in_dim3A_3, %mul3A_45 : vector<16xf32>
      %mul3A_47 = arith.constant 16 : i32
      %mul3A_48 = arith.muli %scan3A_38, %mul3A_47 : i32
      %get3A_49 = arith.constant 1 : i32
      %get3A_50 = arith.index_cast %get3A_49 : i32 to index
      %get3A_51 = arith.index_cast %mul3A_48 : i32 to index
      %get3A_52 = tpu.vector_load %arg5[%get3A_50, %get3A_51] {strides = array<i32>} : memref<16x4096xf32, #tpu.memory_space<vmem>>, vector<16xf32>,
      %mul3A_53 = arith.mulf %get3A_52, %get3A_52 : vector<16xf32>
      %add3A_54 = arith.addf %add3A_46, %mul3A_53 : vector<16xf32>
      %mul3A_55 = arith.constant 16 : i32
      %mul3A_56 = arith.muli %scan3A_38, %mul3A_55 : i32
      %get3A_57 = arith.constant 2 : i32
      %get3A_58 = arith.index_cast %get3A_57 : i32 to index
      %get3A_59 = arith.index_cast %mul3A_56 : i32 to index
      %get3A_60 = tpu.vector_load %arg5[%get3A_58, %get3A_59] {strides = array<i32>} : memref<16x4096xf32, #tpu.memory_space<vmem>>, vector<16xf32>,
      %mul3A_61 = arith.mulf %get3A_60, %get3A_60 : vector<16xf32>
      %add3A_62 = arith.addf %add3A_54, %mul3A_61 : vector<16xf32>
      %mul3A_63 = arith.constant 16 : i32
      %mul3A_64 = arith.muli %scan3A_38, %mul3A_63 : i32
      %get3A_65 = arith.constant 3 : i32
      %get3A_66 = arith.index_cast %get3A_65 : i32 to index
      %get3A_67 = arith.index_cast %mul3A_64 : i32 to index
      %get3A_68 = tpu.vector_load %arg5[%get3A_66, %get3A_67] {strides = array<i32>} : memref<16x4096xf32, #tpu.memory_space<vmem>>, vector<16xf32>,
      %mul3A_69 = arith.mulf %get3A_68, %get3A_68 : vector<16xf32>
      %add3A_70 = arith.addf %add3A_62, %mul3A_69 : vector<16xf32>
      %mul3A_71 = arith.constant 16 : i32
      %mul3A_72 = arith.muli %scan3A_38, %mul3A_71 : i32
      %get3A_73 = arith.constant 4 : i32
      %get3A_74 = arith.index_cast %get3A_73 : i32 to index
      %get3A_75 = arith.index_cast %mul3A_72 : i32 to index
      %get3A_76 = tpu.vector_load %arg5[%get3A_74, %get3A_75] {strides = array<i32>} : memref<16x4096xf32, #tpu.memory_space<vmem>>, vector<16xf32>,
      %mul3A_77 = arith.mulf %get3A_76, %get3A_76 : vector<16xf32>
      %add3A_78 = arith.addf %add3A_70, %mul3A_77 : vector<16xf32>
      %mul3A_79 = arith.constant 16 : i32
      %mul3A_80 = arith.muli %scan3A_38, %mul3A_79 : i32
      %get3A_81 = arith.constant 5 : i32
      %get3A_82 = arith.index_cast %get3A_81 : i32 to index
      %get3A_83 = arith.index_cast %mul3A_80 : i32 to index
      %get3A_84 = tpu.vector_load %arg5[%get3A_82, %get3A_83] {strides = array<i32>} : memref<16x4096xf32, #tpu.memory_space<vmem>>, vector<16xf32>,
      %mul3A_85 = arith.mulf %get3A_84, %get3A_84 : vector<16xf32>
      %add3A_86 = arith.addf %add3A_78, %mul3A_85 : vector<16xf32>
      %mul3A_87 = arith.constant 16 : i32
      %mul3A_88 = arith.muli %scan3A_38, %mul3A_87 : i32
      %get3A_89 = arith.constant 6 : i32
      %get3A_90 = arith.index_cast %get3A_89 : i32 to index
      %get3A_91 = arith.index_cast %mul3A_88 : i32 to index
      %get3A_92 = tpu.vector_load %arg5[%get3A_90, %get3A_91] {strides = array<i32>} : memref<16x4096xf32, #tpu.memory_space<vmem>>, vector<16xf32>,
      %mul3A_93 = arith.mulf %get3A_92, %get3A_92 : vector<16xf32>
      %add3A_94 = arith.addf %add3A_86, %mul3A_93 : vector<16xf32>
      %mul3A_95 = arith.constant 16 : i32
      %mul3A_96 = arith.muli %scan3A_38, %mul3A_95 : i32
      %get3A_97 = arith.constant 7 : i32
      %get3A_98 = arith.index_cast %get3A_97 : i32 to index
      %get3A_99 = arith.index_cast %mul3A_96 : i32 to index
      %get3A_100 = tpu.vector_load %arg5[%get3A_98, %get3A_99] {strides = array<i32>} : memref<16x4096xf32, #tpu.memory_space<vmem>>, vector<16xf32>,
      %mul3A_101 = arith.mulf %get3A_100, %get3A_100 : vector<16xf32>
      %add3A_102 = arith.addf %add3A_94, %mul3A_101 : vector<16xf32>
      %mul3A_103 = arith.constant 16 : i32
      %mul3A_104 = arith.muli %scan3A_38, %mul3A_103 : i32
      %get3A_105 = arith.constant 8 : i32
      %get3A_106 = arith.index_cast %get3A_105 : i32 to index
      %get3A_107 = arith.index_cast %mul3A_104 : i32 to index
      %get3A_108 = tpu.vector_load %arg5[%get3A_106, %get3A_107] {strides = array<i32>} : memref<16x4096xf32, #tpu.memory_space<vmem>>, vector<16xf32>,
      %mul3A_109 = arith.mulf %get3A_108, %get3A_108 : vector<16xf32>
      %add3A_110 = arith.addf %add3A_102, %mul3A_109 : vector<16xf32>
      %mul3A_111 = arith.constant 16 : i32
      %mul3A_112 = arith.muli %scan3A_38, %mul3A_111 : i32
      %get3A_113 = arith.constant 9 : i32
      %get3A_114 = arith.index_cast %get3A_113 : i32 to index
      %get3A_115 = arith.index_cast %mul3A_112 : i32 to index
      %get3A_116 = tpu.vector_load %arg5[%get3A_114, %get3A_115] {strides = array<i32>} : memref<16x4096xf32, #tpu.memory_space<vmem>>, vector<16xf32>,
      %mul3A_117 = arith.mulf %get3A_116, %get3A_116 : vector<16xf32>
      %add3A_118 = arith.addf %add3A_110, %mul3A_117 : vector<16xf32>
      %mul3A_119 = arith.constant 16 : i32
      %mul3A_120 = arith.muli %scan3A_38, %mul3A_119 : i32
      %get3A_121 = arith.constant 10 : i32
      %get3A_122 = arith.index_cast %get3A_121 : i32 to index
      %get3A_123 = arith.index_cast %mul3A_120 : i32 to index
      %get3A_124 = tpu.vector_load %arg5[%get3A_122, %get3A_123] {strides = array<i32>} : memref<16x4096xf32, #tpu.memory_space<vmem>>, vector<16xf32>,
      %mul3A_125 = arith.mulf %get3A_124, %get3A_124 : vector<16xf32>
      %add3A_126 = arith.addf %add3A_118, %mul3A_125 : vector<16xf32>
      %mul3A_127 = arith.constant 16 : i32
      %mul3A_128 = arith.muli %scan3A_38, %mul3A_127 : i32
      %get3A_129 = arith.constant 11 : i32
      %get3A_130 = arith.index_cast %get3A_129 : i32 to index
      %get3A_131 = arith.index_cast %mul3A_128 : i32 to index
      %get3A_132 = tpu.vector_load %arg5[%get3A_130, %get3A_131] {strides = array<i32>} : memref<16x4096xf32, #tpu.memory_space<vmem>>, vector<16xf32>,
      %mul3A_133 = arith.mulf %get3A_132, %get3A_132 : vector<16xf32>
      %add3A_134 = arith.addf %add3A_126, %mul3A_133 : vector<16xf32>
      %mul3A_135 = arith.constant 16 : i32
      %mul3A_136 = arith.muli %scan3A_38, %mul3A_135 : i32
      %get3A_137 = arith.constant 12 : i32
      %get3A_138 = arith.index_cast %get3A_137 : i32 to index
      %get3A_139 = arith.index_cast %mul3A_136 : i32 to index
      %get3A_140 = tpu.vector_load %arg5[%get3A_138, %get3A_139] {strides = array<i32>} : memref<16x4096xf32, #tpu.memory_space<vmem>>, vector<16xf32>,
      %mul3A_141 = arith.mulf %get3A_140, %get3A_140 : vector<16xf32>
      %add3A_142 = arith.addf %add3A_134, %mul3A_141 : vector<16xf32>
      %mul3A_143 = arith.constant 16 : i32
      %mul3A_144 = arith.muli %scan3A_38, %mul3A_143 : i32
      %get3A_145 = arith.constant 13 : i32
      %get3A_146 = arith.index_cast %get3A_145 : i32 to index
      %get3A_147 = arith.index_cast %mul3A_144 : i32 to index
      %get3A_148 = tpu.vector_load %arg5[%get3A_146, %get3A_147] {strides = array<i32>} : memref<16x4096xf32, #tpu.memory_space<vmem>>, vector<16xf32>,
      %mul3A_149 = arith.mulf %get3A_148, %get3A_148 : vector<16xf32>
      %add3A_150 = arith.addf %add3A_142, %mul3A_149 : vector<16xf32>
      %mul3A_151 = arith.constant 16 : i32
      %mul3A_152 = arith.muli %scan3A_38, %mul3A_151 : i32
      %get3A_153 = arith.constant 14 : i32
      %get3A_154 = arith.index_cast %get3A_153 : i32 to index
      %get3A_155 = arith.index_cast %mul3A_152 : i32 to index
      %get3A_156 = tpu.vector_load %arg5[%get3A_154, %get3A_155] {strides = array<i32>} : memref<16x4096xf32, #tpu.memory_space<vmem>>, vector<16xf32>,
      %mul3A_157 = arith.mulf %get3A_156, %get3A_156 : vector<16xf32>
      %add3A_158 = arith.addf %add3A_150, %mul3A_157 : vector<16xf32>
      %mul3A_159 = arith.constant 16 : i32
      %mul3A_160 = arith.muli %scan3A_38, %mul3A_159 : i32
      %get3A_161 = arith.constant 15 : i32
      %get3A_162 = arith.index_cast %get3A_161 : i32 to index
      %get3A_163 = arith.index_cast %mul3A_160 : i32 to index
      %get3A_164 = tpu.vector_load %arg5[%get3A_162, %get3A_163] {strides = array<i32>} : memref<16x4096xf32, #tpu.memory_space<vmem>>, vector<16xf32>,
      %mul3A_165 = arith.mulf %get3A_164, %get3A_164 : vector<16xf32>
      %add3A_166 = arith.addf %add3A_158, %mul3A_165 : vector<16xf32>
      %add3A_167 = arith.constant 1.000000e+00 : f32
      %add3A_168 = vector.broadcast %add3A_167 : f32 to vector<16xf32>
      %add3A_169 = arith.addf %add3A_166, %add3A_168 : vector<16xf32>
      %mul3A_170 = arith.constant 5.000000e-01 : f32
      %mul3A_171 = vector.broadcast %mul3A_170 : f32 to vector<16xf32>
      %mul3A_172 = arith.mulf %mul3A_171, %add3A_169 : vector<16xf32>
      %div3A = arith.divf %add3A_166, %mul3A_172 : vector<16xf32>
      %add3A_173 = arith.addf %mul3A_172, %div3A : vector<16xf32>
      %mul3A_174 = arith.constant 5.000000e-01 : f32
      %mul3A_175 = vector.broadcast %mul3A_174 : f32 to vector<16xf32>
      %mul3A_176 = arith.mulf %mul3A_175, %add3A_173 : vector<16xf32>
      %div3A_177 = arith.divf %add3A_166, %mul3A_176 : vector<16xf32>
      %add3A_178 = arith.addf %mul3A_176, %div3A_177 : vector<16xf32>
      %mul3A_179 = arith.constant 5.000000e-01 : f32
      %mul3A_180 = vector.broadcast %mul3A_179 : f32 to vector<16xf32>
      %mul3A_181 = arith.mulf %mul3A_180, %add3A_178 : vector<16xf32>
      %div3A_182 = arith.divf %add3A_166, %mul3A_181 : vector<16xf32>
      %add3A_183 = arith.addf %mul3A_181, %div3A_182 : vector<16xf32>
      %mul3A_184 = arith.constant 5.000000e-01 : f32
      %mul3A_185 = vector.broadcast %mul3A_184 : f32 to vector<16xf32>
      %mul3A_186 = arith.mulf %mul3A_185, %add3A_183 : vector<16xf32>
      %div3A_187 = arith.divf %add3A_166, %mul3A_186 : vector<16xf32>
      %add3A_188 = arith.addf %mul3A_186, %div3A_187 : vector<16xf32>
      %mul3A_189 = arith.constant 5.000000e-01 : f32
      %mul3A_190 = vector.broadcast %mul3A_189 : f32 to vector<16xf32>
      %mul3A_191 = arith.mulf %mul3A_190, %add3A_188 : vector<16xf32>
      %div3A_192 = arith.divf %add3A_166, %mul3A_191 : vector<16xf32>
      %add3A_193 = arith.addf %mul3A_191, %div3A_192 : vector<16xf32>
      %mul3A_194 = arith.constant 5.000000e-01 : f32
      %mul3A_195 = vector.broadcast %mul3A_194 : f32 to vector<16xf32>
      %mul3A_196 = arith.mulf %mul3A_195, %add3A_193 : vector<16xf32>
      %div3A_197 = arith.divf %add3A_166, %mul3A_196 : vector<16xf32>
      %add3A_198 = arith.addf %mul3A_196, %div3A_197 : vector<16xf32>
      %mul3A_199 = arith.constant 5.000000e-01 : f32
      %mul3A_200 = vector.broadcast %mul3A_199 : f32 to vector<16xf32>
      %mul3A_201 = arith.mulf %mul3A_200, %add3A_198 : vector<16xf32>
      %div3A_202 = arith.divf %add3A_166, %mul3A_201 : vector<16xf32>
      %add3A_203 = arith.addf %mul3A_201, %div3A_202 : vector<16xf32>
      %mul3A_204 = arith.constant 5.000000e-01 : f32
      %mul3A_205 = vector.broadcast %mul3A_204 : f32 to vector<16xf32>
      %mul3A_206 = arith.mulf %mul3A_205, %add3A_203 : vector<16xf32>
      %div3A_207 = arith.divf %add3A_166, %mul3A_206 : vector<16xf32>
      %add3A_208 = arith.addf %mul3A_206, %div3A_207 : vector<16xf32>
      %mul3A_209 = arith.constant 5.000000e-01 : f32
      %mul3A_210 = vector.broadcast %mul3A_209 : f32 to vector<16xf32>
      %mul3A_211 = arith.mulf %mul3A_210, %add3A_208 : vector<16xf32>
      %div3A_212 = arith.divf %add3A_166, %mul3A_211 : vector<16xf32>
      %add3A_213 = arith.addf %mul3A_211, %div3A_212 : vector<16xf32>
      %mul3A_214 = arith.constant 5.000000e-01 : f32
      %mul3A_215 = vector.broadcast %mul3A_214 : f32 to vector<16xf32>
      %mul3A_216 = arith.mulf %mul3A_215, %add3A_213 : vector<16xf32>
      %div3A_217 = arith.divf %add3A_166, %mul3A_216 : vector<16xf32>
      %add3A_218 = arith.addf %mul3A_216, %div3A_217 : vector<16xf32>
      %mul3A_219 = arith.constant 5.000000e-01 : f32
      %mul3A_220 = vector.broadcast %mul3A_219 : f32 to vector<16xf32>
      %mul3A_221 = arith.mulf %mul3A_220, %add3A_218 : vector<16xf32>
      %div3A_222 = arith.divf %add3A_166, %mul3A_221 : vector<16xf32>
      %add3A_223 = arith.addf %mul3A_221, %div3A_222 : vector<16xf32>
      %mul3A_224 = arith.constant 5.000000e-01 : f32
      %mul3A_225 = vector.broadcast %mul3A_224 : f32 to vector<16xf32>
      %mul3A_226 = arith.mulf %mul3A_225, %add3A_223 : vector<16xf32>
      %div3A_227 = arith.divf %add3A_166, %mul3A_226 : vector<16xf32>
      %add3A_228 = arith.addf %mul3A_226, %div3A_227 : vector<16xf32>
      %mul3A_229 = arith.constant 5.000000e-01 : f32
      %mul3A_230 = vector.broadcast %mul3A_229 : f32 to vector<16xf32>
      %mul3A_231 = arith.mulf %mul3A_230, %add3A_228 : vector<16xf32>
      %mul3A_232 = arith.constant 16 : i32
      %mul3A_233 = arith.muli %scan3A_38, %mul3A_232 : i32
      %get3A_234 = arith.constant 0 : i32
      %get3A_235 = arith.index_cast %get3A_234 : i32 to index
      %get3A_236 = arith.index_cast %mul3A_233 : i32 to index
      %get3A_237 = tpu.vector_load %arg5[%get3A_235, %get3A_236] {strides = array<i32>} : memref<16x4096xf32, #tpu.memory_space<vmem>>, vector<16xf32>,
      %div3A_238 = arith.divf %get3A_237, %mul3A_231 : vector<16xf32>
      %mul3A_239 = arith.constant 16 : i32
      %mul3A_240 = arith.muli %scan3A_38, %mul3A_239 : i32
      %swap3A = arith.constant 0 : i32
      %swap3A_241 = arith.index_cast %swap3A : i32 to index
      %swap3A_242 = arith.index_cast %mul3A_240 : i32 to index
      %swap3A_243 = tpu.vector_load %arg5[%swap3A_241, %swap3A_242] {strides = array<i32>} : memref<16x4096xf32, #tpu.memory_space<vmem>>, vector<16xf32>,
      tpu.vector_store %arg5[%swap3A_241, %swap3A_242], %div3A_238 {strides = array<i32>} : memref<16x4096xf32, #tpu.memory_space<vmem>>, vector<16xf32>,
      %mul3A_244 = arith.constant 16 : i32
      %mul3A_245 = arith.muli %scan3A_38, %mul3A_244 : i32
      %get3A_246 = arith.constant 1 : i32
      %get3A_247 = arith.index_cast %get3A_246 : i32 to index
      %get3A_248 = arith.index_cast %mul3A_245 : i32 to index
      %get3A_249 = tpu.vector_load %arg5[%get3A_247, %get3A_248] {strides = array<i32>} : memref<16x4096xf32, #tpu.memory_space<vmem>>, vector<16xf32>,
      %div3A_250 = arith.divf %get3A_249, %mul3A_231 : vector<16xf32>
      %mul3A_251 = arith.constant 16 : i32
      %mul3A_252 = arith.muli %scan3A_38, %mul3A_251 : i32
      %swap3A_253 = arith.constant 1 : i32
      %swap3A_254 = arith.index_cast %swap3A_253 : i32 to index
      %swap3A_255 = arith.index_cast %mul3A_252 : i32 to index
      %swap3A_256 = tpu.vector_load %arg5[%swap3A_254, %swap3A_255] {strides = array<i32>} : memref<16x4096xf32, #tpu.memory_space<vmem>>, vector<16xf32>,
      tpu.vector_store %arg5[%swap3A_254, %swap3A_255], %div3A_250 {strides = array<i32>} : memref<16x4096xf32, #tpu.memory_space<vmem>>, vector<16xf32>,
      %mul3A_257 = arith.constant 16 : i32
      %mul3A_258 = arith.muli %scan3A_38, %mul3A_257 : i32
      %get3A_259 = arith.constant 2 : i32
      %get3A_260 = arith.index_cast %get3A_259 : i32 to index
      %get3A_261 = arith.index_cast %mul3A_258 : i32 to index
      %get3A_262 = tpu.vector_load %arg5[%get3A_260, %get3A_261] {strides = array<i32>} : memref<16x4096xf32, #tpu.memory_space<vmem>>, vector<16xf32>,
      %div3A_263 = arith.divf %get3A_262, %mul3A_231 : vector<16xf32>
      %mul3A_264 = arith.constant 16 : i32
      %mul3A_265 = arith.muli %scan3A_38, %mul3A_264 : i32
      %swap3A_266 = arith.constant 2 : i32
      %swap3A_267 = arith.index_cast %swap3A_266 : i32 to index
      %swap3A_268 = arith.index_cast %mul3A_265 : i32 to index
      %swap3A_269 = tpu.vector_load %arg5[%swap3A_267, %swap3A_268] {strides = array<i32>} : memref<16x4096xf32, #tpu.memory_space<vmem>>, vector<16xf32>,
      tpu.vector_store %arg5[%swap3A_267, %swap3A_268], %div3A_263 {strides = array<i32>} : memref<16x4096xf32, #tpu.memory_space<vmem>>, vector<16xf32>,
      %mul3A_270 = arith.constant 16 : i32
      %mul3A_271 = arith.muli %scan3A_38, %mul3A_270 : i32
      %get3A_272 = arith.constant 3 : i32
      %get3A_273 = arith.index_cast %get3A_272 : i32 to index
      %get3A_274 = arith.index_cast %mul3A_271 : i32 to index
      %get3A_275 = tpu.vector_load %arg5[%get3A_273, %get3A_274] {strides = array<i32>} : memref<16x4096xf32, #tpu.memory_space<vmem>>, vector<16xf32>,
      %div3A_276 = arith.divf %get3A_275, %mul3A_231 : vector<16xf32>
      %mul3A_277 = arith.constant 16 : i32
      %mul3A_278 = arith.muli %scan3A_38, %mul3A_277 : i32
      %swap3A_279 = arith.constant 3 : i32
      %swap3A_280 = arith.index_cast %swap3A_279 : i32 to index
      %swap3A_281 = arith.index_cast %mul3A_278 : i32 to index
      %swap3A_282 = tpu.vector_load %arg5[%swap3A_280, %swap3A_281] {strides = array<i32>} : memref<16x4096xf32, #tpu.memory_space<vmem>>, vector<16xf32>,
      tpu.vector_store %arg5[%swap3A_280, %swap3A_281], %div3A_276 {strides = array<i32>} : memref<16x4096xf32, #tpu.memory_space<vmem>>, vector<16xf32>,
      %mul3A_283 = arith.constant 16 : i32
      %mul3A_284 = arith.muli %scan3A_38, %mul3A_283 : i32
      %get3A_285 = arith.constant 4 : i32
      %get3A_286 = arith.index_cast %get3A_285 : i32 to index
      %get3A_287 = arith.index_cast %mul3A_284 : i32 to index
      %get3A_288 = tpu.vector_load %arg5[%get3A_286, %get3A_287] {strides = array<i32>} : memref<16x4096xf32, #tpu.memory_space<vmem>>, vector<16xf32>,
      %div3A_289 = arith.divf %get3A_288, %mul3A_231 : vector<16xf32>
      %mul3A_290 = arith.constant 16 : i32
      %mul3A_291 = arith.muli %scan3A_38, %mul3A_290 : i32
      %swap3A_292 = arith.constant 4 : i32
      %swap3A_293 = arith.index_cast %swap3A_292 : i32 to index
      %swap3A_294 = arith.index_cast %mul3A_291 : i32 to index
      %swap3A_295 = tpu.vector_load %arg5[%swap3A_293, %swap3A_294] {strides = array<i32>} : memref<16x4096xf32, #tpu.memory_space<vmem>>, vector<16xf32>,
      tpu.vector_store %arg5[%swap3A_293, %swap3A_294], %div3A_289 {strides = array<i32>} : memref<16x4096xf32, #tpu.memory_space<vmem>>, vector<16xf32>,
      %mul3A_296 = arith.constant 16 : i32
      %mul3A_297 = arith.muli %scan3A_38, %mul3A_296 : i32
      %get3A_298 = arith.constant 5 : i32
      %get3A_299 = arith.index_cast %get3A_298 : i32 to index
      %get3A_300 = arith.index_cast %mul3A_297 : i32 to index
      %get3A_301 = tpu.vector_load %arg5[%get3A_299, %get3A_300] {strides = array<i32>} : memref<16x4096xf32, #tpu.memory_space<vmem>>, vector<16xf32>,
      %div3A_302 = arith.divf %get3A_301, %mul3A_231 : vector<16xf32>
      %mul3A_303 = arith.constant 16 : i32
      %mul3A_304 = arith.muli %scan3A_38, %mul3A_303 : i32
      %swap3A_305 = arith.constant 5 : i32
      %swap3A_306 = arith.index_cast %swap3A_305 : i32 to index
      %swap3A_307 = arith.index_cast %mul3A_304 : i32 to index
      %swap3A_308 = tpu.vector_load %arg5[%swap3A_306, %swap3A_307] {strides = array<i32>} : memref<16x4096xf32, #tpu.memory_space<vmem>>, vector<16xf32>,
      tpu.vector_store %arg5[%swap3A_306, %swap3A_307], %div3A_302 {strides = array<i32>} : memref<16x4096xf32, #tpu.memory_space<vmem>>, vector<16xf32>,
      %mul3A_309 = arith.constant 16 : i32
      %mul3A_310 = arith.muli %scan3A_38, %mul3A_309 : i32
      %get3A_311 = arith.constant 6 : i32
      %get3A_312 = arith.index_cast %get3A_311 : i32 to index
      %get3A_313 = arith.index_cast %mul3A_310 : i32 to index
      %get3A_314 = tpu.vector_load %arg5[%get3A_312, %get3A_313] {strides = array<i32>} : memref<16x4096xf32, #tpu.memory_space<vmem>>, vector<16xf32>,
      %div3A_315 = arith.divf %get3A_314, %mul3A_231 : vector<16xf32>
      %mul3A_316 = arith.constant 16 : i32
      %mul3A_317 = arith.muli %scan3A_38, %mul3A_316 : i32
      %swap3A_318 = arith.constant 6 : i32
      %swap3A_319 = arith.index_cast %swap3A_318 : i32 to index
      %swap3A_320 = arith.index_cast %mul3A_317 : i32 to index
      %swap3A_321 = tpu.vector_load %arg5[%swap3A_319, %swap3A_320] {strides = array<i32>} : memref<16x4096xf32, #tpu.memory_space<vmem>>, vector<16xf32>,
      tpu.vector_store %arg5[%swap3A_319, %swap3A_320], %div3A_315 {strides = array<i32>} : memref<16x4096xf32, #tpu.memory_space<vmem>>, vector<16xf32>,
      %mul3A_322 = arith.constant 16 : i32
      %mul3A_323 = arith.muli %scan3A_38, %mul3A_322 : i32
      %get3A_324 = arith.constant 7 : i32
      %get3A_325 = arith.index_cast %get3A_324 : i32 to index
      %get3A_326 = arith.index_cast %mul3A_323 : i32 to index
      %get3A_327 = tpu.vector_load %arg5[%get3A_325, %get3A_326] {strides = array<i32>} : memref<16x4096xf32, #tpu.memory_space<vmem>>, vector<16xf32>,
      %div3A_328 = arith.divf %get3A_327, %mul3A_231 : vector<16xf32>
      %mul3A_329 = arith.constant 16 : i32
      %mul3A_330 = arith.muli %scan3A_38, %mul3A_329 : i32
      %swap3A_331 = arith.constant 7 : i32
      %swap3A_332 = arith.index_cast %swap3A_331 : i32 to index
      %swap3A_333 = arith.index_cast %mul3A_330 : i32 to index
      %swap3A_334 = tpu.vector_load %arg5[%swap3A_332, %swap3A_333] {strides = array<i32>} : memref<16x4096xf32, #tpu.memory_space<vmem>>, vector<16xf32>,
      tpu.vector_store %arg5[%swap3A_332, %swap3A_333], %div3A_328 {strides = array<i32>} : memref<16x4096xf32, #tpu.memory_space<vmem>>, vector<16xf32>,
      %mul3A_335 = arith.constant 16 : i32
      %mul3A_336 = arith.muli %scan3A_38, %mul3A_335 : i32
      %get3A_337 = arith.constant 8 : i32
      %get3A_338 = arith.index_cast %get3A_337 : i32 to index
      %get3A_339 = arith.index_cast %mul3A_336 : i32 to index
      %get3A_340 = tpu.vector_load %arg5[%get3A_338, %get3A_339] {strides = array<i32>} : memref<16x4096xf32, #tpu.memory_space<vmem>>, vector<16xf32>,
      %div3A_341 = arith.divf %get3A_340, %mul3A_231 : vector<16xf32>
      %mul3A_342 = arith.constant 16 : i32
      %mul3A_343 = arith.muli %scan3A_38, %mul3A_342 : i32
      %swap3A_344 = arith.constant 8 : i32
      %swap3A_345 = arith.index_cast %swap3A_344 : i32 to index
      %swap3A_346 = arith.index_cast %mul3A_343 : i32 to index
      %swap3A_347 = tpu.vector_load %arg5[%swap3A_345, %swap3A_346] {strides = array<i32>} : memref<16x4096xf32, #tpu.memory_space<vmem>>, vector<16xf32>,
      tpu.vector_store %arg5[%swap3A_345, %swap3A_346], %div3A_341 {strides = array<i32>} : memref<16x4096xf32, #tpu.memory_space<vmem>>, vector<16xf32>,
      %mul3A_348 = arith.constant 16 : i32
      %mul3A_349 = arith.muli %scan3A_38, %mul3A_348 : i32
      %get3A_350 = arith.constant 9 : i32
      %get3A_351 = arith.index_cast %get3A_350 : i32 to index
      %get3A_352 = arith.index_cast %mul3A_349 : i32 to index
      %get3A_353 = tpu.vector_load %arg5[%get3A_351, %get3A_352] {strides = array<i32>} : memref<16x4096xf32, #tpu.memory_space<vmem>>, vector<16xf32>,
      %div3A_354 = arith.divf %get3A_353, %mul3A_231 : vector<16xf32>
      %mul3A_355 = arith.constant 16 : i32
      %mul3A_356 = arith.muli %scan3A_38, %mul3A_355 : i32
      %swap3A_357 = arith.constant 9 : i32
      %swap3A_358 = arith.index_cast %swap3A_357 : i32 to index
      %swap3A_359 = arith.index_cast %mul3A_356 : i32 to index
      %swap3A_360 = tpu.vector_load %arg5[%swap3A_358, %swap3A_359] {strides = array<i32>} : memref<16x4096xf32, #tpu.memory_space<vmem>>, vector<16xf32>,
      tpu.vector_store %arg5[%swap3A_358, %swap3A_359], %div3A_354 {strides = array<i32>} : memref<16x4096xf32, #tpu.memory_space<vmem>>, vector<16xf32>,
      %mul3A_361 = arith.constant 16 : i32
      %mul3A_362 = arith.muli %scan3A_38, %mul3A_361 : i32
      %get3A_363 = arith.constant 10 : i32
      %get3A_364 = arith.index_cast %get3A_363 : i32 to index
      %get3A_365 = arith.index_cast %mul3A_362 : i32 to index
      %get3A_366 = tpu.vector_load %arg5[%get3A_364, %get3A_365] {strides = array<i32>} : memref<16x4096xf32, #tpu.memory_space<vmem>>, vector<16xf32>,
      %div3A_367 = arith.divf %get3A_366, %mul3A_231 : vector<16xf32>
      %mul3A_368 = arith.constant 16 : i32
      %mul3A_369 = arith.muli %scan3A_38, %mul3A_368 : i32
      %swap3A_370 = arith.constant 10 : i32
      %swap3A_371 = arith.index_cast %swap3A_370 : i32 to index
      %swap3A_372 = arith.index_cast %mul3A_369 : i32 to index
      %swap3A_373 = tpu.vector_load %arg5[%swap3A_371, %swap3A_372] {strides = array<i32>} : memref<16x4096xf32, #tpu.memory_space<vmem>>, vector<16xf32>,
      tpu.vector_store %arg5[%swap3A_371, %swap3A_372], %div3A_367 {strides = array<i32>} : memref<16x4096xf32, #tpu.memory_space<vmem>>, vector<16xf32>,
      %mul3A_374 = arith.constant 16 : i32
      %mul3A_375 = arith.muli %scan3A_38, %mul3A_374 : i32
      %get3A_376 = arith.constant 11 : i32
      %get3A_377 = arith.index_cast %get3A_376 : i32 to index
      %get3A_378 = arith.index_cast %mul3A_375 : i32 to index
      %get3A_379 = tpu.vector_load %arg5[%get3A_377, %get3A_378] {strides = array<i32>} : memref<16x4096xf32, #tpu.memory_space<vmem>>, vector<16xf32>,
      %div3A_380 = arith.divf %get3A_379, %mul3A_231 : vector<16xf32>
      %mul3A_381 = arith.constant 16 : i32
      %mul3A_382 = arith.muli %scan3A_38, %mul3A_381 : i32
      %swap3A_383 = arith.constant 11 : i32
      %swap3A_384 = arith.index_cast %swap3A_383 : i32 to index
      %swap3A_385 = arith.index_cast %mul3A_382 : i32 to index
      %swap3A_386 = tpu.vector_load %arg5[%swap3A_384, %swap3A_385] {strides = array<i32>} : memref<16x4096xf32, #tpu.memory_space<vmem>>, vector<16xf32>,
      tpu.vector_store %arg5[%swap3A_384, %swap3A_385], %div3A_380 {strides = array<i32>} : memref<16x4096xf32, #tpu.memory_space<vmem>>, vector<16xf32>,
      %mul3A_387 = arith.constant 16 : i32
      %mul3A_388 = arith.muli %scan3A_38, %mul3A_387 : i32
      %get3A_389 = arith.constant 12 : i32
      %get3A_390 = arith.index_cast %get3A_389 : i32 to index
      %get3A_391 = arith.index_cast %mul3A_388 : i32 to index
      %get3A_392 = tpu.vector_load %arg5[%get3A_390, %get3A_391] {strides = array<i32>} : memref<16x4096xf32, #tpu.memory_space<vmem>>, vector<16xf32>,
      %div3A_393 = arith.divf %get3A_392, %mul3A_231 : vector<16xf32>
      %mul3A_394 = arith.constant 16 : i32
      %mul3A_395 = arith.muli %scan3A_38, %mul3A_394 : i32
      %swap3A_396 = arith.constant 12 : i32
      %swap3A_397 = arith.index_cast %swap3A_396 : i32 to index
      %swap3A_398 = arith.index_cast %mul3A_395 : i32 to index
      %swap3A_399 = tpu.vector_load %arg5[%swap3A_397, %swap3A_398] {strides = array<i32>} : memref<16x4096xf32, #tpu.memory_space<vmem>>, vector<16xf32>,
      tpu.vector_store %arg5[%swap3A_397, %swap3A_398], %div3A_393 {strides = array<i32>} : memref<16x4096xf32, #tpu.memory_space<vmem>>, vector<16xf32>,
      %mul3A_400 = arith.constant 16 : i32
      %mul3A_401 = arith.muli %scan3A_38, %mul3A_400 : i32
      %get3A_402 = arith.constant 13 : i32
      %get3A_403 = arith.index_cast %get3A_402 : i32 to index
      %get3A_404 = arith.index_cast %mul3A_401 : i32 to index
      %get3A_405 = tpu.vector_load %arg5[%get3A_403, %get3A_404] {strides = array<i32>} : memref<16x4096xf32, #tpu.memory_space<vmem>>, vector<16xf32>,
      %div3A_406 = arith.divf %get3A_405, %mul3A_231 : vector<16xf32>
      %mul3A_407 = arith.constant 16 : i32
      %mul3A_408 = arith.muli %scan3A_38, %mul3A_407 : i32
      %swap3A_409 = arith.constant 13 : i32
      %swap3A_410 = arith.index_cast %swap3A_409 : i32 to index
      %swap3A_411 = arith.index_cast %mul3A_408 : i32 to index
      %swap3A_412 = tpu.vector_load %arg5[%swap3A_410, %swap3A_411] {strides = array<i32>} : memref<16x4096xf32, #tpu.memory_space<vmem>>, vector<16xf32>,
      tpu.vector_store %arg5[%swap3A_410, %swap3A_411], %div3A_406 {strides = array<i32>} : memref<16x4096xf32, #tpu.memory_space<vmem>>, vector<16xf32>,
      %mul3A_413 = arith.constant 16 : i32
      %mul3A_414 = arith.muli %scan3A_38, %mul3A_413 : i32
      %get3A_415 = arith.constant 14 : i32
      %get3A_416 = arith.index_cast %get3A_415 : i32 to index
      %get3A_417 = arith.index_cast %mul3A_414 : i32 to index
      %get3A_418 = tpu.vector_load %arg5[%get3A_416, %get3A_417] {strides = array<i32>} : memref<16x4096xf32, #tpu.memory_space<vmem>>, vector<16xf32>,
      %div3A_419 = arith.divf %get3A_418, %mul3A_231 : vector<16xf32>
      %mul3A_420 = arith.constant 16 : i32
      %mul3A_421 = arith.muli %scan3A_38, %mul3A_420 : i32
      %swap3A_422 = arith.constant 14 : i32
      %swap3A_423 = arith.index_cast %swap3A_422 : i32 to index
      %swap3A_424 = arith.index_cast %mul3A_421 : i32 to index
      %swap3A_425 = tpu.vector_load %arg5[%swap3A_423, %swap3A_424] {strides = array<i32>} : memref<16x4096xf32, #tpu.memory_space<vmem>>, vector<16xf32>,
      tpu.vector_store %arg5[%swap3A_423, %swap3A_424], %div3A_419 {strides = array<i32>} : memref<16x4096xf32, #tpu.memory_space<vmem>>, vector<16xf32>,
      %mul3A_426 = arith.constant 16 : i32
      %mul3A_427 = arith.muli %scan3A_38, %mul3A_426 : i32
      %get3A_428 = arith.constant 15 : i32
      %get3A_429 = arith.index_cast %get3A_428 : i32 to index
      %get3A_430 = arith.index_cast %mul3A_427 : i32 to index
      %get3A_431 = tpu.vector_load %arg5[%get3A_429, %get3A_430] {strides = array<i32>} : memref<16x4096xf32, #tpu.memory_space<vmem>>, vector<16xf32>,
      %div3A_432 = arith.divf %get3A_431, %mul3A_231 : vector<16xf32>
      %mul3A_433 = arith.constant 16 : i32
      %mul3A_434 = arith.muli %scan3A_38, %mul3A_433 : i32
      %swap3A_435 = arith.constant 15 : i32
      %swap3A_436 = arith.index_cast %swap3A_435 : i32 to index
      %swap3A_437 = arith.index_cast %mul3A_434 : i32 to index
      %swap3A_438 = tpu.vector_load %arg5[%swap3A_436, %swap3A_437] {strides = array<i32>} : memref<16x4096xf32, #tpu.memory_space<vmem>>, vector<16xf32>,
      tpu.vector_store %arg5[%swap3A_436, %swap3A_437], %div3A_432 {strides = array<i32>} : memref<16x4096xf32, #tpu.memory_space<vmem>>, vector<16xf32>,
      %scan3A_439 = arith.constant 0 : i32
      scf.yield %scan3A_439 : i32
    }
    %scan3A_16 = arith.constant 256 : i32
    "tpu.region"() ({
      %run_scoped3A_38 = tpu.sem_alloc : memref<!tpu.dma_semaphore, #tpu.memory_space<semaphore_mem>>
      %dma_start3A = arith.constant 0 : i32
      %dma_start3A_39 = arith.constant 0 : i32
      %dma_start3A_40 = tpu.memref_slice %arg8[%dma_start3A, %dma_start3A_39] : memref<19x128xf32, #tpu.memory_space<vmem>> -> memref<16x128xf32, #tpu.memory_space<vmem>>
      %dma_start3A_41 = arith.constant 0 : i32
      %dma_start3A_42 = tpu.memref_slice %arg2[%dma_start3A_41, %mul3A_2] : memref<16x4096xf32, #tpu.memory_space<hbm>> -> memref<16x128xf32, #tpu.memory_space<hbm>>
      %dma_start3A_43 = arith.constant 0 : i32
      %dma_start3A_44 = arith.constant 0 : i32
      %dma_start3A_45 = tpu.memref_slice %arg8[%dma_start3A_43, %dma_start3A_44] : memref<19x128xf32, #tpu.memory_space<vmem>> -> memref<16x128xf32, #tpu.memory_space<vmem>>
      %dma_start3A_46 = arith.constant 0 : i32
      %dma_start3A_47 = tpu.memref_slice %arg2[%dma_start3A_46, %mul3A_2] : memref<16x4096xf32, #tpu.memory_space<hbm>> -> memref<16x128xf32, #tpu.memory_space<hbm>>
      tpu.enqueue_dma source(%dma_start3A_47 : memref<16x128xf32, #tpu.memory_space<hbm>>) target(%dma_start3A_45 : memref<16x128xf32, #tpu.memory_space<vmem>>) target_semaphore(%run_scoped3A_38 : memref<!tpu.dma_semaphore, #tpu.memory_space<semaphore_mem>>)
      %dma_wait3A = arith.constant 0 : i32
      %dma_wait3A_48 = arith.constant 0 : i32
      %dma_wait3A_49 = tpu.memref_slice %arg8[%dma_wait3A, %dma_wait3A_48] : memref<19x128xf32, #tpu.memory_space<vmem>> -> memref<16x128xf32, #tpu.memory_space<vmem>>
      %dma_wait3A_50 = arith.constant 0 : i32
      %dma_wait3A_51 = tpu.memref_slice %arg2[%dma_wait3A_50, %mul3A_2] : memref<16x4096xf32, #tpu.memory_space<hbm>> -> memref<16x128xf32, #tpu.memory_space<hbm>>
      %dma_wait3A_52 = arith.constant 0 : i32
      %dma_wait3A_53 = arith.constant 0 : i32
      %dma_wait3A_54 = tpu.memref_slice %arg8[%dma_wait3A_52, %dma_wait3A_53] : memref<19x128xf32, #tpu.memory_space<vmem>> -> memref<16x128xf32, #tpu.memory_space<vmem>>
      %dma_wait3A_55 = arith.constant 0 : i32
      %dma_wait3A_56 = tpu.memref_slice %arg2[%dma_wait3A_55, %mul3A_2] : memref<16x4096xf32, #tpu.memory_space<hbm>> -> memref<16x128xf32, #tpu.memory_space<hbm>>
      tpu.wait_dma2 semaphore(%run_scoped3A_38 : memref<!tpu.dma_semaphore, #tpu.memory_space<semaphore_mem>>) src(%dma_wait3A_56 : memref<16x128xf32, #tpu.memory_space<hbm>>) dst(%dma_wait3A_54 : memref<16x128xf32, #tpu.memory_space<vmem>>)
      tpu.yield
    }) : () -> ()
    %scan3A_17 = arith.constant 0 : i32
    %scan3A_18 = arith.constant 0 : i32
    %scan3A_19 = arith.constant 8 : i32
    %scan3A_20 = arith.addi %scan3A_18, %scan3A_19 : i32
    %scan3A_21 = arith.constant 1 : i32
    %scan3A_22 = scf.for %scan3A_38 = %scan3A_18 to %scan3A_20 step %scan3A_21 iter_args(%scan3A_39 = %scan3A_17) -> (i32)  : i32 {
      %mul3A_40 = arith.constant 16 : i32
      %mul3A_41 = arith.muli %scan3A_38, %mul3A_40 : i32
      %get3A = arith.constant 0 : i32
      %get3A_42 = arith.index_cast %get3A : i32 to index
      %get3A_43 = arith.index_cast %mul3A_41 : i32 to index
      %get3A_44 = tpu.vector_load %arg8[%get3A_42, %get3A_43] {strides = array<i32>} : memref<19x128xf32, #tpu.memory_space<vmem>>, vector<16xf32>,
      %mul3A_45 = arith.mulf %get3A_44, %get3A_44 : vector<16xf32>
      %add3A_46 = arith.addf %broadcast_in_dim3A_3, %mul3A_45 : vector<16xf32>
      %mul3A_47 = arith.constant 16 : i32
      %mul3A_48 = arith.muli %scan3A_38, %mul3A_47 : i32
      %get3A_49 = arith.constant 1 : i32
      %get3A_50 = arith.index_cast %get3A_49 : i32 to index
      %get3A_51 = arith.index_cast %mul3A_48 : i32 to index
      %get3A_52 = tpu.vector_load %arg8[%get3A_50, %get3A_51] {strides = array<i32>} : memref<19x128xf32, #tpu.memory_space<vmem>>, vector<16xf32>,
      %mul3A_53 = arith.mulf %get3A_52, %get3A_52 : vector<16xf32>
      %add3A_54 = arith.addf %add3A_46, %mul3A_53 : vector<16xf32>
      %mul3A_55 = arith.constant 16 : i32
      %mul3A_56 = arith.muli %scan3A_38, %mul3A_55 : i32
      %get3A_57 = arith.constant 2 : i32
      %get3A_58 = arith.index_cast %get3A_57 : i32 to index
      %get3A_59 = arith.index_cast %mul3A_56 : i32 to index
      %get3A_60 = tpu.vector_load %arg8[%get3A_58, %get3A_59] {strides = array<i32>} : memref<19x128xf32, #tpu.memory_space<vmem>>, vector<16xf32>,
      %mul3A_61 = arith.mulf %get3A_60, %get3A_60 : vector<16xf32>
      %add3A_62 = arith.addf %add3A_54, %mul3A_61 : vector<16xf32>
      %mul3A_63 = arith.constant 16 : i32
      %mul3A_64 = arith.muli %scan3A_38, %mul3A_63 : i32
      %get3A_65 = arith.constant 3 : i32
      %get3A_66 = arith.index_cast %get3A_65 : i32 to index
      %get3A_67 = arith.index_cast %mul3A_64 : i32 to index
      %get3A_68 = tpu.vector_load %arg8[%get3A_66, %get3A_67] {strides = array<i32>} : memref<19x128xf32, #tpu.memory_space<vmem>>, vector<16xf32>,
      %mul3A_69 = arith.mulf %get3A_68, %get3A_68 : vector<16xf32>
      %add3A_70 = arith.addf %add3A_62, %mul3A_69 : vector<16xf32>
      %mul3A_71 = arith.constant 16 : i32
      %mul3A_72 = arith.muli %scan3A_38, %mul3A_71 : i32
      %get3A_73 = arith.constant 4 : i32
      %get3A_74 = arith.index_cast %get3A_73 : i32 to index
      %get3A_75 = arith.index_cast %mul3A_72 : i32 to index
      %get3A_76 = tpu.vector_load %arg8[%get3A_74, %get3A_75] {strides = array<i32>} : memref<19x128xf32, #tpu.memory_space<vmem>>, vector<16xf32>,
      %mul3A_77 = arith.mulf %get3A_76, %get3A_76 : vector<16xf32>
      %add3A_78 = arith.addf %add3A_70, %mul3A_77 : vector<16xf32>
      %mul3A_79 = arith.constant 16 : i32
      %mul3A_80 = arith.muli %scan3A_38, %mul3A_79 : i32
      %get3A_81 = arith.constant 5 : i32
      %get3A_82 = arith.index_cast %get3A_81 : i32 to index
      %get3A_83 = arith.index_cast %mul3A_80 : i32 to index
      %get3A_84 = tpu.vector_load %arg8[%get3A_82, %get3A_83] {strides = array<i32>} : memref<19x128xf32, #tpu.memory_space<vmem>>, vector<16xf32>,
      %mul3A_85 = arith.mulf %get3A_84, %get3A_84 : vector<16xf32>
      %add3A_86 = arith.addf %add3A_78, %mul3A_85 : vector<16xf32>
      %mul3A_87 = arith.constant 16 : i32
      %mul3A_88 = arith.muli %scan3A_38, %mul3A_87 : i32
      %get3A_89 = arith.constant 6 : i32
      %get3A_90 = arith.index_cast %get3A_89 : i32 to index
      %get3A_91 = arith.index_cast %mul3A_88 : i32 to index
      %get3A_92 = tpu.vector_load %arg8[%get3A_90, %get3A_91] {strides = array<i32>} : memref<19x128xf32, #tpu.memory_space<vmem>>, vector<16xf32>,
      %mul3A_93 = arith.mulf %get3A_92, %get3A_92 : vector<16xf32>
      %add3A_94 = arith.addf %add3A_86, %mul3A_93 : vector<16xf32>
      %mul3A_95 = arith.constant 16 : i32
      %mul3A_96 = arith.muli %scan3A_38, %mul3A_95 : i32
      %get3A_97 = arith.constant 7 : i32
      %get3A_98 = arith.index_cast %get3A_97 : i32 to index
      %get3A_99 = arith.index_cast %mul3A_96 : i32 to index
      %get3A_100 = tpu.vector_load %arg8[%get3A_98, %get3A_99] {strides = array<i32>} : memref<19x128xf32, #tpu.memory_space<vmem>>, vector<16xf32>,
      %mul3A_101 = arith.mulf %get3A_100, %get3A_100 : vector<16xf32>
      %add3A_102 = arith.addf %add3A_94, %mul3A_101 : vector<16xf32>
      %mul3A_103 = arith.constant 16 : i32
      %mul3A_104 = arith.muli %scan3A_38, %mul3A_103 : i32
      %get3A_105 = arith.constant 8 : i32
      %get3A_106 = arith.index_cast %get3A_105 : i32 to index
      %get3A_107 = arith.index_cast %mul3A_104 : i32 to index
      %get3A_108 = tpu.vector_load %arg8[%get3A_106, %get3A_107] {strides = array<i32>} : memref<19x128xf32, #tpu.memory_space<vmem>>, vector<16xf32>,
      %mul3A_109 = arith.mulf %get3A_108, %get3A_108 : vector<16xf32>
      %add3A_110 = arith.addf %add3A_102, %mul3A_109 : vector<16xf32>
      %mul3A_111 = arith.constant 16 : i32
      %mul3A_112 = arith.muli %scan3A_38, %mul3A_111 : i32
      %get3A_113 = arith.constant 9 : i32
      %get3A_114 = arith.index_cast %get3A_113 : i32 to index
      %get3A_115 = arith.index_cast %mul3A_112 : i32 to index
      %get3A_116 = tpu.vector_load %arg8[%get3A_114, %get3A_115] {strides = array<i32>} : memref<19x128xf32, #tpu.memory_space<vmem>>, vector<16xf32>,
      %mul3A_117 = arith.mulf %get3A_116, %get3A_116 : vector<16xf32>
      %add3A_118 = arith.addf %add3A_110, %mul3A_117 : vector<16xf32>
      %mul3A_119 = arith.constant 16 : i32
      %mul3A_120 = arith.muli %scan3A_38, %mul3A_119 : i32
      %get3A_121 = arith.constant 10 : i32
      %get3A_122 = arith.index_cast %get3A_121 : i32 to index
      %get3A_123 = arith.index_cast %mul3A_120 : i32 to index
      %get3A_124 = tpu.vector_load %arg8[%get3A_122, %get3A_123] {strides = array<i32>} : memref<19x128xf32, #tpu.memory_space<vmem>>, vector<16xf32>,
      %mul3A_125 = arith.mulf %get3A_124, %get3A_124 : vector<16xf32>
      %add3A_126 = arith.addf %add3A_118, %mul3A_125 : vector<16xf32>
      %mul3A_127 = arith.constant 16 : i32
      %mul3A_128 = arith.muli %scan3A_38, %mul3A_127 : i32
      %get3A_129 = arith.constant 11 : i32
      %get3A_130 = arith.index_cast %get3A_129 : i32 to index
      %get3A_131 = arith.index_cast %mul3A_128 : i32 to index
      %get3A_132 = tpu.vector_load %arg8[%get3A_130, %get3A_131] {strides = array<i32>} : memref<19x128xf32, #tpu.memory_space<vmem>>, vector<16xf32>,
      %mul3A_133 = arith.mulf %get3A_132, %get3A_132 : vector<16xf32>
      %add3A_134 = arith.addf %add3A_126, %mul3A_133 : vector<16xf32>
      %mul3A_135 = arith.constant 16 : i32
      %mul3A_136 = arith.muli %scan3A_38, %mul3A_135 : i32
      %get3A_137 = arith.constant 12 : i32
      %get3A_138 = arith.index_cast %get3A_137 : i32 to index
      %get3A_139 = arith.index_cast %mul3A_136 : i32 to index
      %get3A_140 = tpu.vector_load %arg8[%get3A_138, %get3A_139] {strides = array<i32>} : memref<19x128xf32, #tpu.memory_space<vmem>>, vector<16xf32>,
      %mul3A_141 = arith.mulf %get3A_140, %get3A_140 : vector<16xf32>
      %add3A_142 = arith.addf %add3A_134, %mul3A_141 : vector<16xf32>
      %mul3A_143 = arith.constant 16 : i32
      %mul3A_144 = arith.muli %scan3A_38, %mul3A_143 : i32
      %get3A_145 = arith.constant 13 : i32
      %get3A_146 = arith.index_cast %get3A_145 : i32 to index
      %get3A_147 = arith.index_cast %mul3A_144 : i32 to index
      %get3A_148 = tpu.vector_load %arg8[%get3A_146, %get3A_147] {strides = array<i32>} : memref<19x128xf32, #tpu.memory_space<vmem>>, vector<16xf32>,
      %mul3A_149 = arith.mulf %get3A_148, %get3A_148 : vector<16xf32>
      %add3A_150 = arith.addf %add3A_142, %mul3A_149 : vector<16xf32>
      %mul3A_151 = arith.constant 16 : i32
      %mul3A_152 = arith.muli %scan3A_38, %mul3A_151 : i32
      %get3A_153 = arith.constant 14 : i32
      %get3A_154 = arith.index_cast %get3A_153 : i32 to index
      %get3A_155 = arith.index_cast %mul3A_152 : i32 to index
      %get3A_156 = tpu.vector_load %arg8[%get3A_154, %get3A_155] {strides = array<i32>} : memref<19x128xf32, #tpu.memory_space<vmem>>, vector<16xf32>,
      %mul3A_157 = arith.mulf %get3A_156, %get3A_156 : vector<16xf32>
      %add3A_158 = arith.addf %add3A_150, %mul3A_157 : vector<16xf32>
      %mul3A_159 = arith.constant 16 : i32
      %mul3A_160 = arith.muli %scan3A_38, %mul3A_159 : i32
      %get3A_161 = arith.constant 15 : i32
      %get3A_162 = arith.index_cast %get3A_161 : i32 to index
      %get3A_163 = arith.index_cast %mul3A_160 : i32 to index
      %get3A_164 = tpu.vector_load %arg8[%get3A_162, %get3A_163] {strides = array<i32>} : memref<19x128xf32, #tpu.memory_space<vmem>>, vector<16xf32>,
      %mul3A_165 = arith.mulf %get3A_164, %get3A_164 : vector<16xf32>
      %add3A_166 = arith.addf %add3A_158, %mul3A_165 : vector<16xf32>
      %add3A_167 = arith.constant 1.000000e+00 : f32
      %add3A_168 = vector.broadcast %add3A_167 : f32 to vector<16xf32>
      %add3A_169 = arith.addf %add3A_166, %add3A_168 : vector<16xf32>
      %mul3A_170 = arith.constant 5.000000e-01 : f32
      %mul3A_171 = vector.broadcast %mul3A_170 : f32 to vector<16xf32>
      %mul3A_172 = arith.mulf %mul3A_171, %add3A_169 : vector<16xf32>
      %div3A = arith.divf %add3A_166, %mul3A_172 : vector<16xf32>
      %add3A_173 = arith.addf %mul3A_172, %div3A : vector<16xf32>
      %mul3A_174 = arith.constant 5.000000e-01 : f32
      %mul3A_175 = vector.broadcast %mul3A_174 : f32 to vector<16xf32>
      %mul3A_176 = arith.mulf %mul3A_175, %add3A_173 : vector<16xf32>
      %div3A_177 = arith.divf %add3A_166, %mul3A_176 : vector<16xf32>
      %add3A_178 = arith.addf %mul3A_176, %div3A_177 : vector<16xf32>
      %mul3A_179 = arith.constant 5.000000e-01 : f32
      %mul3A_180 = vector.broadcast %mul3A_179 : f32 to vector<16xf32>
      %mul3A_181 = arith.mulf %mul3A_180, %add3A_178 : vector<16xf32>
      %div3A_182 = arith.divf %add3A_166, %mul3A_181 : vector<16xf32>
      %add3A_183 = arith.addf %mul3A_181, %div3A_182 : vector<16xf32>
      %mul3A_184 = arith.constant 5.000000e-01 : f32
      %mul3A_185 = vector.broadcast %mul3A_184 : f32 to vector<16xf32>
      %mul3A_186 = arith.mulf %mul3A_185, %add3A_183 : vector<16xf32>
      %div3A_187 = arith.divf %add3A_166, %mul3A_186 : vector<16xf32>
      %add3A_188 = arith.addf %mul3A_186, %div3A_187 : vector<16xf32>
      %mul3A_189 = arith.constant 5.000000e-01 : f32
      %mul3A_190 = vector.broadcast %mul3A_189 : f32 to vector<16xf32>
      %mul3A_191 = arith.mulf %mul3A_190, %add3A_188 : vector<16xf32>
      %div3A_192 = arith.divf %add3A_166, %mul3A_191 : vector<16xf32>
      %add3A_193 = arith.addf %mul3A_191, %div3A_192 : vector<16xf32>
      %mul3A_194 = arith.constant 5.000000e-01 : f32
      %mul3A_195 = vector.broadcast %mul3A_194 : f32 to vector<16xf32>
      %mul3A_196 = arith.mulf %mul3A_195, %add3A_193 : vector<16xf32>
      %div3A_197 = arith.divf %add3A_166, %mul3A_196 : vector<16xf32>
      %add3A_198 = arith.addf %mul3A_196, %div3A_197 : vector<16xf32>
      %mul3A_199 = arith.constant 5.000000e-01 : f32
      %mul3A_200 = vector.broadcast %mul3A_199 : f32 to vector<16xf32>
      %mul3A_201 = arith.mulf %mul3A_200, %add3A_198 : vector<16xf32>
      %div3A_202 = arith.divf %add3A_166, %mul3A_201 : vector<16xf32>
      %add3A_203 = arith.addf %mul3A_201, %div3A_202 : vector<16xf32>
      %mul3A_204 = arith.constant 5.000000e-01 : f32
      %mul3A_205 = vector.broadcast %mul3A_204 : f32 to vector<16xf32>
      %mul3A_206 = arith.mulf %mul3A_205, %add3A_203 : vector<16xf32>
      %div3A_207 = arith.divf %add3A_166, %mul3A_206 : vector<16xf32>
      %add3A_208 = arith.addf %mul3A_206, %div3A_207 : vector<16xf32>
      %mul3A_209 = arith.constant 5.000000e-01 : f32
      %mul3A_210 = vector.broadcast %mul3A_209 : f32 to vector<16xf32>
      %mul3A_211 = arith.mulf %mul3A_210, %add3A_208 : vector<16xf32>
      %div3A_212 = arith.divf %add3A_166, %mul3A_211 : vector<16xf32>
      %add3A_213 = arith.addf %mul3A_211, %div3A_212 : vector<16xf32>
      %mul3A_214 = arith.constant 5.000000e-01 : f32
      %mul3A_215 = vector.broadcast %mul3A_214 : f32 to vector<16xf32>
      %mul3A_216 = arith.mulf %mul3A_215, %add3A_213 : vector<16xf32>
      %div3A_217 = arith.divf %add3A_166, %mul3A_216 : vector<16xf32>
      %add3A_218 = arith.addf %mul3A_216, %div3A_217 : vector<16xf32>
      %mul3A_219 = arith.constant 5.000000e-01 : f32
      %mul3A_220 = vector.broadcast %mul3A_219 : f32 to vector<16xf32>
      %mul3A_221 = arith.mulf %mul3A_220, %add3A_218 : vector<16xf32>
      %div3A_222 = arith.divf %add3A_166, %mul3A_221 : vector<16xf32>
      %add3A_223 = arith.addf %mul3A_221, %div3A_222 : vector<16xf32>
      %mul3A_224 = arith.constant 5.000000e-01 : f32
      %mul3A_225 = vector.broadcast %mul3A_224 : f32 to vector<16xf32>
      %mul3A_226 = arith.mulf %mul3A_225, %add3A_223 : vector<16xf32>
      %div3A_227 = arith.divf %add3A_166, %mul3A_226 : vector<16xf32>
      %add3A_228 = arith.addf %mul3A_226, %div3A_227 : vector<16xf32>
      %mul3A_229 = arith.constant 5.000000e-01 : f32
      %mul3A_230 = vector.broadcast %mul3A_229 : f32 to vector<16xf32>
      %mul3A_231 = arith.mulf %mul3A_230, %add3A_228 : vector<16xf32>
      %mul3A_232 = arith.constant 16 : i32
      %mul3A_233 = arith.muli %scan3A_38, %mul3A_232 : i32
      %swap3A = arith.index_cast %mul3A_233 : i32 to index
      %swap3A_234 = tpu.vector_load %arg7[%swap3A] {strides = array<i32>} : memref<128xf32, #tpu.memory_space<vmem>>, vector<16xf32>,
      tpu.vector_store %arg7[%swap3A], %mul3A_231 {strides = array<i32>} : memref<128xf32, #tpu.memory_space<vmem>>, vector<16xf32>,
      %scan3A_235 = arith.constant 0 : i32
      scf.yield %scan3A_235 : i32
    }
    %scan3A_23 = arith.constant 8 : i32
    %iota3A = tpu.iota {dimensions = array<i32: 0>} : vector<16xi32>
    %scan3A_24 = arith.constant 0 : i32
    %scan3A_25 = arith.constant 0 : i32
    %scan3A_26 = arith.constant 128 : i32
    %scan3A_27 = arith.addi %scan3A_25, %scan3A_26 : i32
    %scan3A_28 = arith.constant 1 : i32
    %scan3A_29 = scf.for %scan3A_38 = %scan3A_25 to %scan3A_27 step %scan3A_28 iter_args(%scan3A_39 = %scan3A_24) -> (i32)  : i32 {
      %add3A_40 = arith.addi %mul3A_2, %scan3A_38 : i32
      %broadcast_in_dim3A_41 = arith.constant 0 : i32
      %broadcast_in_dim3A_42 = vector.broadcast %broadcast_in_dim3A_41 : i32 to vector<16xi32>
      %broadcast_in_dim3A_43 = vector.broadcast %scan3A_38 : i32 to vector<16xi32>
      %gather3A = tpu.vector_load_idx %arg8[%broadcast_in_dim3A_42, %broadcast_in_dim3A_43] : memref<19x128xf32, #tpu.memory_space<vmem>>[vector<16xi32>, vector<16xi32>], vector<16xf32>,
      %broadcast_in_dim3A_44 = arith.constant 1 : i32
      %broadcast_in_dim3A_45 = vector.broadcast %broadcast_in_dim3A_44 : i32 to vector<16xi32>
      %broadcast_in_dim3A_46 = vector.broadcast %scan3A_38 : i32 to vector<16xi32>
      %gather3A_47 = tpu.vector_load_idx %arg8[%broadcast_in_dim3A_45, %broadcast_in_dim3A_46] : memref<19x128xf32, #tpu.memory_space<vmem>>[vector<16xi32>, vector<16xi32>], vector<16xf32>,
      %broadcast_in_dim3A_48 = arith.constant 2 : i32
      %broadcast_in_dim3A_49 = vector.broadcast %broadcast_in_dim3A_48 : i32 to vector<16xi32>
      %broadcast_in_dim3A_50 = vector.broadcast %scan3A_38 : i32 to vector<16xi32>
      %gather3A_51 = tpu.vector_load_idx %arg8[%broadcast_in_dim3A_49, %broadcast_in_dim3A_50] : memref<19x128xf32, #tpu.memory_space<vmem>>[vector<16xi32>, vector<16xi32>], vector<16xf32>,
      %broadcast_in_dim3A_52 = arith.constant 3 : i32
      %broadcast_in_dim3A_53 = vector.broadcast %broadcast_in_dim3A_52 : i32 to vector<16xi32>
      %broadcast_in_dim3A_54 = vector.broadcast %scan3A_38 : i32 to vector<16xi32>
      %gather3A_55 = tpu.vector_load_idx %arg8[%broadcast_in_dim3A_53, %broadcast_in_dim3A_54] : memref<19x128xf32, #tpu.memory_space<vmem>>[vector<16xi32>, vector<16xi32>], vector<16xf32>,
      %broadcast_in_dim3A_56 = arith.constant 4 : i32
      %broadcast_in_dim3A_57 = vector.broadcast %broadcast_in_dim3A_56 : i32 to vector<16xi32>
      %broadcast_in_dim3A_58 = vector.broadcast %scan3A_38 : i32 to vector<16xi32>
      %gather3A_59 = tpu.vector_load_idx %arg8[%broadcast_in_dim3A_57, %broadcast_in_dim3A_58] : memref<19x128xf32, #tpu.memory_space<vmem>>[vector<16xi32>, vector<16xi32>], vector<16xf32>,
      %broadcast_in_dim3A_60 = arith.constant 5 : i32
      %broadcast_in_dim3A_61 = vector.broadcast %broadcast_in_dim3A_60 : i32 to vector<16xi32>
      %broadcast_in_dim3A_62 = vector.broadcast %scan3A_38 : i32 to vector<16xi32>
      %gather3A_63 = tpu.vector_load_idx %arg8[%broadcast_in_dim3A_61, %broadcast_in_dim3A_62] : memref<19x128xf32, #tpu.memory_space<vmem>>[vector<16xi32>, vector<16xi32>], vector<16xf32>,
      %broadcast_in_dim3A_64 = arith.constant 6 : i32
      %broadcast_in_dim3A_65 = vector.broadcast %broadcast_in_dim3A_64 : i32 to vector<16xi32>
      %broadcast_in_dim3A_66 = vector.broadcast %scan3A_38 : i32 to vector<16xi32>
      %gather3A_67 = tpu.vector_load_idx %arg8[%broadcast_in_dim3A_65, %broadcast_in_dim3A_66] : memref<19x128xf32, #tpu.memory_space<vmem>>[vector<16xi32>, vector<16xi32>], vector<16xf32>,
      %broadcast_in_dim3A_68 = arith.constant 7 : i32
      %broadcast_in_dim3A_69 = vector.broadcast %broadcast_in_dim3A_68 : i32 to vector<16xi32>
      %broadcast_in_dim3A_70 = vector.broadcast %scan3A_38 : i32 to vector<16xi32>
      %gather3A_71 = tpu.vector_load_idx %arg8[%broadcast_in_dim3A_69, %broadcast_in_dim3A_70] : memref<19x128xf32, #tpu.memory_space<vmem>>[vector<16xi32>, vector<16xi32>], vector<16xf32>,
      %broadcast_in_dim3A_72 = arith.constant 8 : i32
      %broadcast_in_dim3A_73 = vector.broadcast %broadcast_in_dim3A_72 : i32 to vector<16xi32>
      %broadcast_in_dim3A_74 = vector.broadcast %scan3A_38 : i32 to vector<16xi32>
      %gather3A_75 = tpu.vector_load_idx %arg8[%broadcast_in_dim3A_73, %broadcast_in_dim3A_74] : memref<19x128xf32, #tpu.memory_space<vmem>>[vector<16xi32>, vector<16xi32>], vector<16xf32>,
      %broadcast_in_dim3A_76 = arith.constant 9 : i32
      %broadcast_in_dim3A_77 = vector.broadcast %broadcast_in_dim3A_76 : i32 to vector<16xi32>
      %broadcast_in_dim3A_78 = vector.broadcast %scan3A_38 : i32 to vector<16xi32>
      %gather3A_79 = tpu.vector_load_idx %arg8[%broadcast_in_dim3A_77, %broadcast_in_dim3A_78] : memref<19x128xf32, #tpu.memory_space<vmem>>[vector<16xi32>, vector<16xi32>], vector<16xf32>,
      %broadcast_in_dim3A_80 = arith.constant 10 : i32
      %broadcast_in_dim3A_81 = vector.broadcast %broadcast_in_dim3A_80 : i32 to vector<16xi32>
      %broadcast_in_dim3A_82 = vector.broadcast %scan3A_38 : i32 to vector<16xi32>
      %gather3A_83 = tpu.vector_load_idx %arg8[%broadcast_in_dim3A_81, %broadcast_in_dim3A_82] : memref<19x128xf32, #tpu.memory_space<vmem>>[vector<16xi32>, vector<16xi32>], vector<16xf32>,
      %broadcast_in_dim3A_84 = arith.constant 11 : i32
      %broadcast_in_dim3A_85 = vector.broadcast %broadcast_in_dim3A_84 : i32 to vector<16xi32>
      %broadcast_in_dim3A_86 = vector.broadcast %scan3A_38 : i32 to vector<16xi32>
      %gather3A_87 = tpu.vector_load_idx %arg8[%broadcast_in_dim3A_85, %broadcast_in_dim3A_86] : memref<19x128xf32, #tpu.memory_space<vmem>>[vector<16xi32>, vector<16xi32>], vector<16xf32>,
      %broadcast_in_dim3A_88 = arith.constant 12 : i32
      %broadcast_in_dim3A_89 = vector.broadcast %broadcast_in_dim3A_88 : i32 to vector<16xi32>
      %broadcast_in_dim3A_90 = vector.broadcast %scan3A_38 : i32 to vector<16xi32>
      %gather3A_91 = tpu.vector_load_idx %arg8[%broadcast_in_dim3A_89, %broadcast_in_dim3A_90] : memref<19x128xf32, #tpu.memory_space<vmem>>[vector<16xi32>, vector<16xi32>], vector<16xf32>,
      %broadcast_in_dim3A_92 = arith.constant 13 : i32
      %broadcast_in_dim3A_93 = vector.broadcast %broadcast_in_dim3A_92 : i32 to vector<16xi32>
      %broadcast_in_dim3A_94 = vector.broadcast %scan3A_38 : i32 to vector<16xi32>
      %gather3A_95 = tpu.vector_load_idx %arg8[%broadcast_in_dim3A_93, %broadcast_in_dim3A_94] : memref<19x128xf32, #tpu.memory_space<vmem>>[vector<16xi32>, vector<16xi32>], vector<16xf32>,
      %broadcast_in_dim3A_96 = arith.constant 14 : i32
      %broadcast_in_dim3A_97 = vector.broadcast %broadcast_in_dim3A_96 : i32 to vector<16xi32>
      %broadcast_in_dim3A_98 = vector.broadcast %scan3A_38 : i32 to vector<16xi32>
      %gather3A_99 = tpu.vector_load_idx %arg8[%broadcast_in_dim3A_97, %broadcast_in_dim3A_98] : memref<19x128xf32, #tpu.memory_space<vmem>>[vector<16xi32>, vector<16xi32>], vector<16xf32>,
      %broadcast_in_dim3A_100 = arith.constant 15 : i32
      %broadcast_in_dim3A_101 = vector.broadcast %broadcast_in_dim3A_100 : i32 to vector<16xi32>
      %broadcast_in_dim3A_102 = vector.broadcast %scan3A_38 : i32 to vector<16xi32>
      %gather3A_103 = tpu.vector_load_idx %arg8[%broadcast_in_dim3A_101, %broadcast_in_dim3A_102] : memref<19x128xf32, #tpu.memory_space<vmem>>[vector<16xi32>, vector<16xi32>], vector<16xf32>,
      %broadcast_in_dim3A_104 = vector.broadcast %add3A_40 : i32 to vector<16xi32>
      %gather3A_105 = tpu.vector_load_idx %arg5[%iota3A, %broadcast_in_dim3A_104] : memref<16x4096xf32, #tpu.memory_space<vmem>>[vector<16xi32>, vector<16xi32>], vector<16xf32>,
      %broadcast_in_dim3A_106 = vector.broadcast %scan3A_38 : i32 to vector<16xi32>
      %gather3A_107 = tpu.vector_load_idx %arg8[%iota3A, %broadcast_in_dim3A_106] : memref<19x128xf32, #tpu.memory_space<vmem>>[vector<16xi32>, vector<16xi32>], vector<16xf32>,
      %mul3A_108 = arith.mulf %gather3A_107, %gather3A_105 : vector<16xf32>
      %reduce_sum3A = arith.constant true
      %reduce_sum3A_109 = vector.broadcast %reduce_sum3A : i1 to vector<16xi1>
      %reduce_sum3A_110 = tpu.scan <sum>, %mul3A_108 masked %reduce_sum3A_109 : vector<16xf32>, vector<16xi1> -> vector<16xf32>
      %reduce_sum3A_111 = vector.extract %reduce_sum3A_110[15] : f32 from vector<16xf32>
      %eq3A = arith.constant 0 : i32
      %eq3A_112 = vector.broadcast %eq3A : i32 to vector<16xi32>
      %eq3A_113 = arith.cmpi eq, %iota3A, %eq3A_112 : vector<16xi32>
      %broadcast_in_dim3A_114 = vector.broadcast %add3A_40 : i32 to vector<16xi32>
      %broadcast_in_dim3A_115 = arith.constant 1.000000e+30 : f32
      %broadcast_in_dim3A_116 = vector.broadcast %broadcast_in_dim3A_115 : f32 to vector<16xf32>
      tpu.vector_store_idx %arg6[%broadcast_in_dim3A_114], %broadcast_in_dim3A_116 masked %eq3A_113 : memref<4096xf32, #tpu.memory_space<vmem>>[vector<16xi32>], vector<16xf32>, vector<16xi1>
      %broadcast_in_dim3A_117 = arith.constant 0x7F800000 : f32
      %broadcast_in_dim3A_118 = vector.broadcast %broadcast_in_dim3A_117 : f32 to vector<16xf32>
      %scan3A_119 = arith.constant 0 : i32
      %scan3A_120 = arith.constant 256 : i32
      %scan3A_121 = arith.addi %scan3A_119, %scan3A_120 : i32
      %scan3A_122 = arith.constant 1 : i32
      %scan3A_123 = scf.for %scan3A_136 = %scan3A_119 to %scan3A_121 step %scan3A_122 iter_args(%scan3A_137 = %broadcast_in_dim3A_118) -> (vector<16xf32>)  : i32 {
        %mul3A_138 = arith.constant 16 : i32
        %mul3A_139 = arith.muli %scan3A_136, %mul3A_138 : i32
        %get3A = arith.constant 0 : i32
        %get3A_140 = arith.index_cast %get3A : i32 to index
        %get3A_141 = arith.index_cast %mul3A_139 : i32 to index
        %get3A_142 = tpu.vector_load %arg5[%get3A_140, %get3A_141] {strides = array<i32>} : memref<16x4096xf32, #tpu.memory_space<vmem>>, vector<16xf32>,
        %mul3A_143 = arith.mulf %gather3A, %get3A_142 : vector<16xf32>
        %mul3A_144 = arith.constant 16 : i32
        %mul3A_145 = arith.muli %scan3A_136, %mul3A_144 : i32
        %get3A_146 = arith.constant 1 : i32
        %get3A_147 = arith.index_cast %get3A_146 : i32 to index
        %get3A_148 = arith.index_cast %mul3A_145 : i32 to index
        %get3A_149 = tpu.vector_load %arg5[%get3A_147, %get3A_148] {strides = array<i32>} : memref<16x4096xf32, #tpu.memory_space<vmem>>, vector<16xf32>,
        %mul3A_150 = arith.mulf %gather3A_47, %get3A_149 : vector<16xf32>
        %add3A_151 = arith.addf %mul3A_143, %mul3A_150 : vector<16xf32>
        %mul3A_152 = arith.constant 16 : i32
        %mul3A_153 = arith.muli %scan3A_136, %mul3A_152 : i32
        %get3A_154 = arith.constant 2 : i32
        %get3A_155 = arith.index_cast %get3A_154 : i32 to index
        %get3A_156 = arith.index_cast %mul3A_153 : i32 to index
        %get3A_157 = tpu.vector_load %arg5[%get3A_155, %get3A_156] {strides = array<i32>} : memref<16x4096xf32, #tpu.memory_space<vmem>>, vector<16xf32>,
        %mul3A_158 = arith.mulf %gather3A_51, %get3A_157 : vector<16xf32>
        %add3A_159 = arith.addf %add3A_151, %mul3A_158 : vector<16xf32>
        %mul3A_160 = arith.constant 16 : i32
        %mul3A_161 = arith.muli %scan3A_136, %mul3A_160 : i32
        %get3A_162 = arith.constant 3 : i32
        %get3A_163 = arith.index_cast %get3A_162 : i32 to index
        %get3A_164 = arith.index_cast %mul3A_161 : i32 to index
        %get3A_165 = tpu.vector_load %arg5[%get3A_163, %get3A_164] {strides = array<i32>} : memref<16x4096xf32, #tpu.memory_space<vmem>>, vector<16xf32>,
        %mul3A_166 = arith.mulf %gather3A_55, %get3A_165 : vector<16xf32>
        %add3A_167 = arith.addf %add3A_159, %mul3A_166 : vector<16xf32>
        %mul3A_168 = arith.constant 16 : i32
        %mul3A_169 = arith.muli %scan3A_136, %mul3A_168 : i32
        %get3A_170 = arith.constant 4 : i32
        %get3A_171 = arith.index_cast %get3A_170 : i32 to index
        %get3A_172 = arith.index_cast %mul3A_169 : i32 to index
        %get3A_173 = tpu.vector_load %arg5[%get3A_171, %get3A_172] {strides = array<i32>} : memref<16x4096xf32, #tpu.memory_space<vmem>>, vector<16xf32>,
        %mul3A_174 = arith.mulf %gather3A_59, %get3A_173 : vector<16xf32>
        %add3A_175 = arith.addf %add3A_167, %mul3A_174 : vector<16xf32>
        %mul3A_176 = arith.constant 16 : i32
        %mul3A_177 = arith.muli %scan3A_136, %mul3A_176 : i32
        %get3A_178 = arith.constant 5 : i32
        %get3A_179 = arith.index_cast %get3A_178 : i32 to index
        %get3A_180 = arith.index_cast %mul3A_177 : i32 to index
        %get3A_181 = tpu.vector_load %arg5[%get3A_179, %get3A_180] {strides = array<i32>} : memref<16x4096xf32, #tpu.memory_space<vmem>>, vector<16xf32>,
        %mul3A_182 = arith.mulf %gather3A_63, %get3A_181 : vector<16xf32>
        %add3A_183 = arith.addf %add3A_175, %mul3A_182 : vector<16xf32>
        %mul3A_184 = arith.constant 16 : i32
        %mul3A_185 = arith.muli %scan3A_136, %mul3A_184 : i32
        %get3A_186 = arith.constant 6 : i32
        %get3A_187 = arith.index_cast %get3A_186 : i32 to index
        %get3A_188 = arith.index_cast %mul3A_185 : i32 to index
        %get3A_189 = tpu.vector_load %arg5[%get3A_187, %get3A_188] {strides = array<i32>} : memref<16x4096xf32, #tpu.memory_space<vmem>>, vector<16xf32>,
        %mul3A_190 = arith.mulf %gather3A_67, %get3A_189 : vector<16xf32>
        %add3A_191 = arith.addf %add3A_183, %mul3A_190 : vector<16xf32>
        %mul3A_192 = arith.constant 16 : i32
        %mul3A_193 = arith.muli %scan3A_136, %mul3A_192 : i32
        %get3A_194 = arith.constant 7 : i32
        %get3A_195 = arith.index_cast %get3A_194 : i32 to index
        %get3A_196 = arith.index_cast %mul3A_193 : i32 to index
        %get3A_197 = tpu.vector_load %arg5[%get3A_195, %get3A_196] {strides = array<i32>} : memref<16x4096xf32, #tpu.memory_space<vmem>>, vector<16xf32>,
        %mul3A_198 = arith.mulf %gather3A_71, %get3A_197 : vector<16xf32>
        %add3A_199 = arith.addf %add3A_191, %mul3A_198 : vector<16xf32>
        %mul3A_200 = arith.constant 16 : i32
        %mul3A_201 = arith.muli %scan3A_136, %mul3A_200 : i32
        %get3A_202 = arith.constant 8 : i32
        %get3A_203 = arith.index_cast %get3A_202 : i32 to index
        %get3A_204 = arith.index_cast %mul3A_201 : i32 to index
        %get3A_205 = tpu.vector_load %arg5[%get3A_203, %get3A_204] {strides = array<i32>} : memref<16x4096xf32, #tpu.memory_space<vmem>>, vector<16xf32>,
        %mul3A_206 = arith.mulf %gather3A_75, %get3A_205 : vector<16xf32>
        %add3A_207 = arith.addf %add3A_199, %mul3A_206 : vector<16xf32>
        %mul3A_208 = arith.constant 16 : i32
        %mul3A_209 = arith.muli %scan3A_136, %mul3A_208 : i32
        %get3A_210 = arith.constant 9 : i32
        %get3A_211 = arith.index_cast %get3A_210 : i32 to index
        %get3A_212 = arith.index_cast %mul3A_209 : i32 to index
        %get3A_213 = tpu.vector_load %arg5[%get3A_211, %get3A_212] {strides = array<i32>} : memref<16x4096xf32, #tpu.memory_space<vmem>>, vector<16xf32>,
        %mul3A_214 = arith.mulf %gather3A_79, %get3A_213 : vector<16xf32>
        %add3A_215 = arith.addf %add3A_207, %mul3A_214 : vector<16xf32>
        %mul3A_216 = arith.constant 16 : i32
        %mul3A_217 = arith.muli %scan3A_136, %mul3A_216 : i32
        %get3A_218 = arith.constant 10 : i32
        %get3A_219 = arith.index_cast %get3A_218 : i32 to index
        %get3A_220 = arith.index_cast %mul3A_217 : i32 to index
        %get3A_221 = tpu.vector_load %arg5[%get3A_219, %get3A_220] {strides = array<i32>} : memref<16x4096xf32, #tpu.memory_space<vmem>>, vector<16xf32>,
        %mul3A_222 = arith.mulf %gather3A_83, %get3A_221 : vector<16xf32>
        %add3A_223 = arith.addf %add3A_215, %mul3A_222 : vector<16xf32>
        %mul3A_224 = arith.constant 16 : i32
        %mul3A_225 = arith.muli %scan3A_136, %mul3A_224 : i32
        %get3A_226 = arith.constant 11 : i32
        %get3A_227 = arith.index_cast %get3A_226 : i32 to index
        %get3A_228 = arith.index_cast %mul3A_225 : i32 to index
        %get3A_229 = tpu.vector_load %arg5[%get3A_227, %get3A_228] {strides = array<i32>} : memref<16x4096xf32, #tpu.memory_space<vmem>>, vector<16xf32>,
        %mul3A_230 = arith.mulf %gather3A_87, %get3A_229 : vector<16xf32>
        %add3A_231 = arith.addf %add3A_223, %mul3A_230 : vector<16xf32>
        %mul3A_232 = arith.constant 16 : i32
        %mul3A_233 = arith.muli %scan3A_136, %mul3A_232 : i32
        %get3A_234 = arith.constant 12 : i32
        %get3A_235 = arith.index_cast %get3A_234 : i32 to index
        %get3A_236 = arith.index_cast %mul3A_233 : i32 to index
        %get3A_237 = tpu.vector_load %arg5[%get3A_235, %get3A_236] {strides = array<i32>} : memref<16x4096xf32, #tpu.memory_space<vmem>>, vector<16xf32>,
        %mul3A_238 = arith.mulf %gather3A_91, %get3A_237 : vector<16xf32>
        %add3A_239 = arith.addf %add3A_231, %mul3A_238 : vector<16xf32>
        %mul3A_240 = arith.constant 16 : i32
        %mul3A_241 = arith.muli %scan3A_136, %mul3A_240 : i32
        %get3A_242 = arith.constant 13 : i32
        %get3A_243 = arith.index_cast %get3A_242 : i32 to index
        %get3A_244 = arith.index_cast %mul3A_241 : i32 to index
        %get3A_245 = tpu.vector_load %arg5[%get3A_243, %get3A_244] {strides = array<i32>} : memref<16x4096xf32, #tpu.memory_space<vmem>>, vector<16xf32>,
        %mul3A_246 = arith.mulf %gather3A_95, %get3A_245 : vector<16xf32>
        %add3A_247 = arith.addf %add3A_239, %mul3A_246 : vector<16xf32>
        %mul3A_248 = arith.constant 16 : i32
        %mul3A_249 = arith.muli %scan3A_136, %mul3A_248 : i32
        %get3A_250 = arith.constant 14 : i32
        %get3A_251 = arith.index_cast %get3A_250 : i32 to index
        %get3A_252 = arith.index_cast %mul3A_249 : i32 to index
        %get3A_253 = tpu.vector_load %arg5[%get3A_251, %get3A_252] {strides = array<i32>} : memref<16x4096xf32, #tpu.memory_space<vmem>>, vector<16xf32>,
        %mul3A_254 = arith.mulf %gather3A_99, %get3A_253 : vector<16xf32>
        %add3A_255 = arith.addf %add3A_247, %mul3A_254 : vector<16xf32>
        %mul3A_256 = arith.constant 16 : i32
        %mul3A_257 = arith.muli %scan3A_136, %mul3A_256 : i32
        %get3A_258 = arith.constant 15 : i32
        %get3A_259 = arith.index_cast %get3A_258 : i32 to index
        %get3A_260 = arith.index_cast %mul3A_257 : i32 to index
        %get3A_261 = tpu.vector_load %arg5[%get3A_259, %get3A_260] {strides = array<i32>} : memref<16x4096xf32, #tpu.memory_space<vmem>>, vector<16xf32>,
        %mul3A_262 = arith.mulf %gather3A_103, %get3A_261 : vector<16xf32>
        %add3A_263 = arith.addf %add3A_255, %mul3A_262 : vector<16xf32>
        %mul3A_264 = arith.constant 16 : i32
        %mul3A_265 = arith.muli %scan3A_136, %mul3A_264 : i32
        %get3A_266 = arith.index_cast %mul3A_265 : i32 to index
        %get3A_267 = tpu.vector_load %arg6[%get3A_266] {strides = array<i32>} : memref<4096xf32, #tpu.memory_space<vmem>>, vector<16xf32>,
        %add3A_268 = arith.addf %add3A_263, %get3A_267 : vector<16xf32>
        %min3A = arith.minimumf %scan3A_137, %add3A_268 : vector<16xf32>
        scf.yield %min3A : vector<16xf32>
      }
      %scan3A_124 = arith.constant 256 : i32
      tpu.vector_store_idx %arg6[%broadcast_in_dim3A_114], %broadcast_in_dim3A_3 masked %eq3A_113 : memref<4096xf32, #tpu.memory_space<vmem>>[vector<16xi32>], vector<16xf32>, vector<16xi1>
      %reduce_min3A = arith.constant true
      %reduce_min3A_125 = vector.broadcast %reduce_min3A : i1 to vector<16xi1>
      %reduce_min3A_126 = tpu.scan <min>, %scan3A_123 masked %reduce_min3A_125 : vector<16xf32>, vector<16xi1> -> vector<16xf32>
      %reduce_min3A_127 = vector.extract %reduce_min3A_126[15] : f32 from vector<16xf32>
      %broadcast_in_dim3A_128 = vector.broadcast %scan3A_38 : i32 to vector<16xi32>
      %broadcast_in_dim3A_129 = arith.constant 16 : i32
      %broadcast_in_dim3A_130 = vector.broadcast %broadcast_in_dim3A_129 : i32 to vector<16xi32>
      %broadcast_in_dim3A_131 = vector.broadcast %reduce_sum3A_111 : f32 to vector<16xf32>
      tpu.vector_store_idx %arg8[%broadcast_in_dim3A_130, %broadcast_in_dim3A_128], %broadcast_in_dim3A_131 masked %eq3A_113 : memref<19x128xf32, #tpu.memory_space<vmem>>[vector<16xi32>, vector<16xi32>], vector<16xf32>, vector<16xi1>
      %broadcast_in_dim3A_132 = arith.constant 17 : i32
      %broadcast_in_dim3A_133 = vector.broadcast %broadcast_in_dim3A_132 : i32 to vector<16xi32>
      %broadcast_in_dim3A_134 = vector.broadcast %reduce_min3A_127 : f32 to vector<16xf32>
      tpu.vector_store_idx %arg8[%broadcast_in_dim3A_133, %broadcast_in_dim3A_128], %broadcast_in_dim3A_134 masked %eq3A_113 : memref<19x128xf32, #tpu.memory_space<vmem>>[vector<16xi32>, vector<16xi32>], vector<16xf32>, vector<16xi1>
      %scan3A_135 = arith.constant 0 : i32
      scf.yield %scan3A_135 : i32
    }
    %scan3A_30 = arith.constant 128 : i32
    %scan3A_31 = arith.constant 0 : i32
    %scan3A_32 = arith.constant 0 : i32
    %scan3A_33 = arith.constant 8 : i32
    %scan3A_34 = arith.addi %scan3A_32, %scan3A_33 : i32
    %scan3A_35 = arith.constant 1 : i32
    %scan3A_36 = scf.for %scan3A_38 = %scan3A_32 to %scan3A_34 step %scan3A_35 iter_args(%scan3A_39 = %scan3A_31) -> (i32)  : i32 {
      %mul3A_40 = arith.constant 16 : i32
      %mul3A_41 = arith.muli %scan3A_38, %mul3A_40 : i32
      %get3A = arith.constant 16 : i32
      %get3A_42 = arith.index_cast %get3A : i32 to index
      %get3A_43 = arith.index_cast %mul3A_41 : i32 to index
      %get3A_44 = tpu.vector_load %arg8[%get3A_42, %get3A_43] {strides = array<i32>} : memref<19x128xf32, #tpu.memory_space<vmem>>, vector<16xf32>,
      %mul3A_45 = arith.constant 16 : i32
      %mul3A_46 = arith.muli %scan3A_38, %mul3A_45 : i32
      %get3A_47 = arith.constant 17 : i32
      %get3A_48 = arith.index_cast %get3A_47 : i32 to index
      %get3A_49 = arith.index_cast %mul3A_46 : i32 to index
      %get3A_50 = tpu.vector_load %arg8[%get3A_48, %get3A_49] {strides = array<i32>} : memref<19x128xf32, #tpu.memory_space<vmem>>, vector<16xf32>,
      %mul3A_51 = arith.constant 16 : i32
      %mul3A_52 = arith.muli %scan3A_38, %mul3A_51 : i32
      %get3A_53 = arith.index_cast %mul3A_52 : i32 to index
      %get3A_54 = tpu.vector_load %arg7[%get3A_53] {strides = array<i32>} : memref<128xf32, #tpu.memory_space<vmem>>, vector<16xf32>,
      %sub3A = arith.subf %get3A_44, %get3A_50 : vector<16xf32>
      %div3A = arith.divf %sub3A, %get3A_54 : vector<16xf32>
      %add3A_55 = arith.constant 1.000000e+00 : f32
      %add3A_56 = vector.broadcast %add3A_55 : f32 to vector<16xf32>
      %add3A_57 = arith.addf %add3A_56, %div3A : vector<16xf32>
      %max3A = arith.constant 0.000000e+00 : f32
      %max3A_58 = vector.broadcast %max3A : f32 to vector<16xf32>
      %max3A_59 = arith.maximumf %add3A_57, %max3A_58 : vector<16xf32>
      %mul3A_60 = arith.constant 16 : i32
      %mul3A_61 = arith.muli %scan3A_38, %mul3A_60 : i32
      %swap3A = arith.constant 18 : i32
      %swap3A_62 = arith.index_cast %swap3A : i32 to index
      %swap3A_63 = arith.index_cast %mul3A_61 : i32 to index
      %swap3A_64 = tpu.vector_load %arg8[%swap3A_62, %swap3A_63] {strides = array<i32>} : memref<19x128xf32, #tpu.memory_space<vmem>>, vector<16xf32>,
      tpu.vector_store %arg8[%swap3A_62, %swap3A_63], %max3A_59 {strides = array<i32>} : memref<19x128xf32, #tpu.memory_space<vmem>>, vector<16xf32>,
      %scan3A_65 = arith.constant 0 : i32
      scf.yield %scan3A_65 : i32
    }
    %scan3A_37 = arith.constant 8 : i32
    %run_scoped3A = arith.constant 18 : i32
    "tpu.region"() ({
      %run_scoped3A_38 = tpu.sem_alloc : memref<!tpu.dma_semaphore, #tpu.memory_space<semaphore_mem>>
      %dma_start3A = arith.constant 0 : i32
      %dma_start3A_39 = tpu.memref_slice %arg8[%run_scoped3A, %dma_start3A] : memref<19x128xf32, #tpu.memory_space<vmem>> -> memref<1x128xf32, #tpu.memory_space<vmem>>
      %dma_start3A_40 = tpu.memref_squeeze %dma_start3A_39 : memref<1x128xf32, #tpu.memory_space<vmem>> -> memref<128xf32, #tpu.memory_space<vmem>>
      %dma_start3A_41 = tpu.memref_slice %arg4[%mul3A_2] : memref<4096xf32, #tpu.memory_space<hbm>> -> memref<128xf32, #tpu.memory_space<hbm>>
      %dma_start3A_42 = tpu.memref_slice %arg4[%mul3A_2] : memref<4096xf32, #tpu.memory_space<hbm>> -> memref<128xf32, #tpu.memory_space<hbm>>
      %dma_start3A_43 = arith.constant 0 : i32
      %dma_start3A_44 = tpu.memref_slice %arg8[%run_scoped3A, %dma_start3A_43] : memref<19x128xf32, #tpu.memory_space<vmem>> -> memref<1x128xf32, #tpu.memory_space<vmem>>
      %dma_start3A_45 = tpu.memref_squeeze %dma_start3A_44 : memref<1x128xf32, #tpu.memory_space<vmem>> -> memref<128xf32, #tpu.memory_space<vmem>>
      tpu.enqueue_dma source(%dma_start3A_45 : memref<128xf32, #tpu.memory_space<vmem>>) target(%dma_start3A_42 : memref<128xf32, #tpu.memory_space<hbm>>) target_semaphore(%run_scoped3A_38 : memref<!tpu.dma_semaphore, #tpu.memory_space<semaphore_mem>>)
      %dma_wait3A = arith.constant 0 : i32
      %dma_wait3A_46 = tpu.memref_slice %arg8[%run_scoped3A, %dma_wait3A] : memref<19x128xf32, #tpu.memory_space<vmem>> -> memref<1x128xf32, #tpu.memory_space<vmem>>
      %dma_wait3A_47 = tpu.memref_squeeze %dma_wait3A_46 : memref<1x128xf32, #tpu.memory_space<vmem>> -> memref<128xf32, #tpu.memory_space<vmem>>
      %dma_wait3A_48 = tpu.memref_slice %arg4[%mul3A_2] : memref<4096xf32, #tpu.memory_space<hbm>> -> memref<128xf32, #tpu.memory_space<hbm>>
      %dma_wait3A_49 = tpu.memref_slice %arg4[%mul3A_2] : memref<4096xf32, #tpu.memory_space<hbm>> -> memref<128xf32, #tpu.memory_space<hbm>>
      %dma_wait3A_50 = arith.constant 0 : i32
      %dma_wait3A_51 = tpu.memref_slice %arg8[%run_scoped3A, %dma_wait3A_50] : memref<19x128xf32, #tpu.memory_space<vmem>> -> memref<1x128xf32, #tpu.memory_space<vmem>>
      %dma_wait3A_52 = tpu.memref_squeeze %dma_wait3A_51 : memref<1x128xf32, #tpu.memory_space<vmem>> -> memref<128xf32, #tpu.memory_space<vmem>>
      tpu.wait_dma2 semaphore(%run_scoped3A_38 : memref<!tpu.dma_semaphore, #tpu.memory_space<semaphore_mem>>) src(%dma_wait3A_52 : memref<128xf32, #tpu.memory_space<vmem>>) dst(%dma_wait3A_49 : memref<128xf32, #tpu.memory_space<hbm>>)
      tpu.yield
    }) : () -> ()
    return
  }
}

</mosaic_0001>

<sc_bundles>
// kernel: kernel.3.cloned.1.call-start
scs
__scs_entry_jumppad:
0x0: {  	(pc) =	sbr.rel $0x88, $3  }
0x1: {  	(tag) =	ssettag $0x0;
	lr =	simm.s32 $0x1  }
0x2: {  	[smem:$0x3F9F] =	sst lr;
	_ =	strace $0xD0000000  }
0x3: {  	_ = 	snop  }
0x4: {  	_ = 	snop  }
0x5: {  	_ = 	snop  }
0x6: {  	_ = 	snop  }
0x7: {  	_ = 	snop  }
__scs_overlays_trampoline_lowered:
0x8: {  	[smem:$0x3FAE] =	sst s0  }
0x9: {  	[smem:$0x3FAF] =	sst s1  }
0xa: {  	[smem:$0x3FB0] =	sst s2  }
0xb: {  	[smem:$0x3FB1] =	sst s3  }
0xc: {  	[smem:$0x3FB2] =	sst s4  }
0xd: {  	[smem:$0x3FB3] =	sst s5  }
0xe: {  	[smem:$0x3FB4] =	sst s6  }
0xf: {  	[smem:$0x3FB5] =	sst s7  }
0x10: {  	[smem:$0x3FB6] =	sst s8  }
0x11: {  	[smem:$0x3FB7] =	sst s9;
	s0 =	simm.s32 @!p0 $0x0  }
0x12: {  	s1 =	sld [smem:$0x3F9D];
	s0 =	simm.s32 @p0 $0x1  }
0x13: {  	[smem:$0x3FB8] =	sst s0;
	s0 =	simm.s32 @!p1 $0x0  }
0x14: {  	s2 =	sld [smem:$0x3F9C];
	s0 =	simm.s32 @p1 $0x1  }
0x15: {  	[smem:$0x3FB9] =	sst s0;
	s0 =	simm.s32 @!p2 $0x0  }
0x16: {  	s3 =	sld [smem:$0x3FDB];
	s0 =	simm.s32 @p2 $0x1  }
0x17: {  	s4 =	simm.s32 $0x1BF5;
	[smem:$0x3FBB] =	sst s0  }
0x18: {  	s0 =	sld [smem:$0x3F9E];
	_ =	swait.ge [sflag:s4], $0x0  }
0x19: {  	s7 =	sld [smem:$0x3F9F]  }
0x1a: {  	s8 =	sadd.s32 $0xFFFFE003, lr  }
0x1b: {  	s9 =	sadd.s32 $0xFFFFFEF7, lr;
	s5 =	simm.s32 $0xFFFFFFFF;
	p2 =	slt.u32 s8, $0xFFFFF086  }
0x1c: {  	p1 =	slt.u32 s9, $0xF7A;
	s5 =	simm.s32 @!p2 $0x0  }
0x1d: {  	s5 =	simm.s32 @p1 $0x1;
	p0 =	seq.s32 s7, s2  }
0x1e: {  	s7 =	smul.u32 @!p0 $0xF7A, s2;
	p2 =	seq.s32 @!p0 s5, $0x0  }
0x1f: {  	s9 =	smul.u32 $0xF7A, s1;
	s8 =	simm.s32 @!p0 $0x1BF5;
	p2 =	por !p2, p0  }
0x20: {  	[sflag:s8] =	ssyncset.s32 @!p0 $0xFFFFF086;
	s6 =	sadd.s32 @!p0 s3, s7;
	s7 =	simm.s32 @!p0 $0x108  }
0x21: {  	s3 =	sadd.s32 s3, s9;
	s6 =	sadd.s32 @!p0 $0x88, s6;
	s7 =	simm.s32 @p2 $0x1082  }
0x22: {  	[simem:s7], [sflag:s8] =	dma.local @!p0 [hbm:s6], $0xF7A  }
0x23: {  	s9 =	sor.u32 $0xD0000000, s2;
	s6 =	simm.s32 $0x108;
	_ =	swait.ge @!p0 [sflag:s8], $0x0  }
0x24: {  	s3 =	sadd.s32 $0x88, s3;
	s6 =	simm.s32 @!p1 $0x1082;
	[sflag:s4] =	ssyncset.s32 $0xFFFFF086  }
0x25: {  	[simem:s6], [sflag:s4] =	dma.local [hbm:s3], $0xF7A  }
0x26: {  	[smem:$0x3F9F] =	sst s1;
	(tag) =	ssettag s2;
	_ =	strace s9  }
0x27: {  	s1 =	sld [smem:$0x3FAF]  }
0x28: {  	s2 =	sld [smem:$0x3FB0]  }
0x29: {  	s4 =	sld [smem:$0x3FB2]  }
0x2a: {  	p0 =	seq.s32 s5, $0x0;
	s5 =	sld [smem:$0x3FB3]  }
0x2b: {  	s6 =	sld [smem:$0x3FB4]  }
0x2c: {  	s7 =	sld [smem:$0x3FB5]  }
0x2d: {  	s3 =	simm.s32 $0x108;
	s8 =	sld [smem:$0x3FB6]  }
0x2e: {  	s3 =	simm.s32 @!p0 $0x1082;
	s9 =	sld [smem:$0x3FB7]  }
0x2f: {  	lr =	sadd.s32 s0, s3;
	s0 =	sld [smem:$0x3FAE]  }
0x30: {  	s3 =	sld [smem:$0x3FB1]  }
0x31: {  	[smem:$0x3FBA] =	sst s10  }
0x32: {  	s10 =	sld [smem:$0x3FB8];
	_ =	sdelay $0x3  }
0x33: {  	p0 =	seq.s32 s10, $0x1;
	s10 =	sld [smem:$0x3FBA];
	_ =	sdelay $0x3  }
0x34: {  	[smem:$0x3FBA] =	sst s10  }
0x35: {  	s10 =	sld [smem:$0x3FB9];
	_ =	sdelay $0x3  }
0x36: {  	p1 =	seq.s32 s10, $0x1;
	s10 =	sld [smem:$0x3FBA];
	_ =	sdelay $0x3  }
0x37: {  	[smem:$0x3FBA] =	sst s10  }
0x38: {  	s10 =	sld [smem:$0x3FBB]  }
0x39: {  	_ = 	snop;
	(pc) =	sbr.ind lr, $3  }
0x3a: {  	_ = 	snop  }
0x3b: {  	_ = 	snop  }
0x3c: {  	p2 =	seq.s32 s10, $0x1;
	s10 =	sld [smem:$0x3FBA]  }
0x3d: {  	_ =	shalt  }
0x3e: {  	_ =	shalt  }
0x3f: {  	_ =	shalt  }
0x40: {  	_ =	shalt  }
0x41: {  	_ =	shalt  }
0x42: {  	_ =	shalt  }
0x43: {  	_ =	shalt  }
0x44: {  	_ =	shalt  }
0x45: {  	_ =	shalt  }
0x46: {  	_ =	shalt  }
0x47: {  	_ =	shalt  }
0x48: {  	_ =	shalt  }
0x49: {  	_ =	shalt  }
0x4a: {  	_ =	shalt  }
0x4b: {  	_ =	shalt  }
0x4c: {  	_ =	shalt  }
0x4d: {  	_ =	shalt  }
0x4e: {  	_ =	shalt  }
0x4f: {  	_ =	shalt  }
0x50: {  	_ =	shalt  }
0x51: {  	_ =	shalt  }
0x52: {  	_ =	shalt  }
0x53: {  	_ =	shalt  }
0x54: {  	_ =	shalt  }
0x55: {  	_ =	shalt  }
0x56: {  	_ =	shalt  }
0x57: {  	_ =	shalt  }
0x58: {  	_ =	shalt  }
0x59: {  	_ =	shalt  }
0x5a: {  	_ =	shalt  }
0x5b: {  	_ =	shalt  }
0x5c: {  	_ =	shalt  }
0x5d: {  	_ =	shalt  }
0x5e: {  	_ =	shalt  }
0x5f: {  	_ =	shalt  }
0x60: {  	_ =	shalt  }
0x61: {  	_ =	shalt  }
0x62: {  	_ =	shalt  }
0x63: {  	_ =	shalt  }
0x64: {  	_ =	shalt  }
0x65: {  	_ =	shalt  }
0x66: {  	_ =	shalt  }
0x67: {  	_ =	shalt  }
0x68: {  	_ =	shalt  }
0x69: {  	_ =	shalt  }
0x6a: {  	_ =	shalt  }
0x6b: {  	_ =	shalt  }
0x6c: {  	_ =	shalt  }
0x6d: {  	_ =	shalt  }
0x6e: {  	_ =	shalt  }
0x6f: {  	_ =	shalt  }
0x70: {  	_ =	shalt  }
0x71: {  	_ =	shalt  }
0x72: {  	_ =	shalt  }
0x73: {  	_ =	shalt  }
0x74: {  	_ =	shalt  }
0x75: {  	_ =	shalt  }
0x76: {  	_ =	shalt  }
0x77: {  	_ =	shalt  }
0x78: {  	_ =	shalt  }
0x79: {  	_ =	shalt  }
0x7a: {  	_ =	shalt  }
0x7b: {  	_ =	shalt  }
0x7c: {  	_ =	shalt  }
0x7d: {  	_ =	shalt  }
0x7e: {  	_ =	shalt  }
0x7f: {  	_ =	shalt  }
0x80: {  	_ =	shalt  }
0x81: {  	_ =	shalt  }
0x82: {  	_ =	shalt  }
0x83: {  	_ =	shalt  }
0x84: {  	_ =	shalt  }
0x85: {  	_ =	shalt  }
0x86: {  	_ =	shalt  }
0x87: {  	_ =	shalt  }
.Lfunc_end0:
.L_simem_size_0:
called_computation_lowered:
.L_overlay_start_0:
0x88: {  	s2 =	sld [smem:$0x3FD9]  }
0x89: {  	s3 =	sld [smem:$0x3FFE];
	_ =	sdelay $0x1  }
0x8a: {  	s1 =	srdreg.scid  }
0x8b: {  	s0 =	sand.u32 $0x1, s1  }
0x8c: {  	s17 =	sshll.u32 s0, $0xA;
	s2 =	sadd.s32 s3, s2  }
0x8d: {  	s2 =	sadd.s32 s2, s17  }
0x8e: {  	[smem:$0x3FC6] =	sst s2  }
0x8f: {  	_ = 	snop  }
0x90: {  	s2 =	sld [smem:$0x3FC9]  }
0x91: {  	s18 =	sld [smem:$0x3FC8];
	(tm) =	ssettm $0x1  }
0x92: {  	s4 =	sld [smem:$0x3FFB];
	_ =	sdelay $0x3  }
0x93: {  	_ =	strace s4  }
0x94: {  	s4 =	sld [smem:$0x3FFC];
	_ =	sdelay $0x3  }
0x95: {  	_ =	strace s4  }
0x96: {  	s4 =	sld [smem:$0x3FFD];
	_ =	sdelay $0x3  }
0x97: {  	_ =	strace s4  }
0x98: {  	_ =	strace $0x8FFFFFFF  }
0x99: {  	s19 =	sld [smem:$0x3FDB];
	_ =	sdelay $0x1  }
0x9a: {  	s5 =	simm.s32 $_scs_section_size  }
0x9b: {  	s6 =	simm.s32 $_size__tile_overlayer_lowered;
	s7 =	simm.s32 $_tile_overlayer_lowered  }
0x9c: {  	s22 =	simm.s32 $0x1BFF;
	s21 =	sshll.u32 s7, $0x1;
	s4 =	sadd.s32 s5, s19  }
0x9d: {  	s8 =	simm.s32 $0x0;
	s20 =	sshll.u32 s6, $0x1;
	s6 =	sadd.s32 s21, s4  }
0x9e: {  	[timem:s8], [sflag:s22] =	dma.local [hbm:s6], s20  }
0x9f: {  	_ =	swait.ge [sflag:s22], s20  }
0xa0: {  	s5 =	ssub.s32 $0x0, s20;
	[sflag:s22] =	ssyncset.done $0x0  }
0xa1: {  	[sflag:s22] =	ssyncadd.s32 s5;
	_ =	sdelay $0x1  }
0xa2: {  	s23 =	simm.s32 $0x1B8B  }
0xa3: {  	_ =	swait.ge [sflag:s23], $0x1  }
0xa4: {  	[sflag:s23] =	ssyncset.done $0x0  }
0xa5: {  	s25 =	simm.s32 $0x1B8E;
	s24 =	sld [smem:$0x3FFE];
	[sflag:s23] =	ssyncadd.s32 $0xFFFFFFFF  }
0xa6: {  	s26 =	simm.s32 $execute0_lowered;
	[smem:$0x3FD2] =	sst s25  }
0xa7: {  	s6 =	sshll.u32 s26, $0x1;
	_ =	strace $0x80000046;
	[dreg:$0x1] =	wrdreg $0xFFFFFFFF  }
0xa8: {  	s28 =	simm.s32 $_size_execute0_lowered;
	s4 =	sadd.s32 s4, s6;
	[dreg:$0x0] =	wrdreg $0x0  }
0xa9: {  	s6 =	sshll.u32 s28, $0x1;
	[dreg:$0x2] =	wrdreg s4  }
0xaa: {  	[dreg:$0x3] =	wrdreg s6  }
0xab: {  	[dreg:$0x4] =	wrdreg $0xC0  }
0xac: {  	_ =	task [dreg:s8], $0x5FFFF  }
0xad: {  	[dreg:$0x1] =	wrdreg $0xFFFFFFFF  }
0xae: {  	[dreg:$0x0] =	wrdreg $0x60  }
0xaf: {  	[dreg:$0x2] =	wrdreg s2  }
0xb0: {  	[dreg:$0x3] =	wrdreg s18  }
0xb1: {  	[dreg:$0x4] =	wrdreg s24  }
0xb2: {  	[dreg:$0x5] =	wrdreg $0x9  }
0xb3: {  	_ =	task.clear_ibuf [dreg:s8], $0x6FFFF;
	_ =	strace $0x90000046  }
0xb4: {  	s29 =	simm.s32 $0x9;
	_ =	strace $0x80000048  }
0xb5: {  	_ =	swait.ge [sflag:s29], $0x1  }
0xb6: {  	[sflag:s29] =	ssyncadd.s32 $0xFFFFFFFF  }
0xb7: {  	_ =	strace $0x90000048  }
0xb8: {  	_ =	sfence  }
0xb9: {  	s30 =	sld [smem:$0x0];
	_ =	sdelay $0x2  }
0xba: {  	s31 =	sshll.u32 s1, $0xD;
	s1 =	sshrl.u32 s1, $0x2  }
0xbb: {  	s3 =	sand.u32 $0x4000, s31;
	s1 =	sadd.s32 s1, s30  }
0xbc: {  	s0 =	sor.u32 s3, s0;
	s1 =	sshll.u32 s1, $0x11  }
0xbd: {  	s0 =	sor.u32 s1, s0  }
0xbe: {  	s0 =	sadd.s32 $0x8F2B, s0  }
0xbf: {  	[sflag:s0] =	ssyncadd.remote.s32 $0x1  }
0xc0: {  	_ =	sfence.sel $0xFFFF  }
0xc1: {  	[dreg:$0x0] =	wrdreg $0xFFFFFFFF;
	(pc) =	sbr.abs _section_cstart, $3  }
0xc2: {  	[dreg:$0x1] =	wrdreg $0xFFFFFFFF  }
0xc3: {  	_ =	task.clear_ibuf [dreg:s8], $0x2FFFF;
	_ =	strace $0x9FFFFFFF  }
0xc4: {  	(tm) =	ssettm $0x7FFFFFFF  }
0xc5: {  	_ =	shalt  }
tec
execute0_lowered:
.L_overlay_start_1:
0x0: {  	(tag) =	ssettag $0x1  }
0x1: {  	v0 =	vimm.s32 $0x8380;
	vm0 =	vcmask $0x300  }
0x2: {  	vm14 =	vcmask $0x704;
	v0 =	vsel vm0, $0x0, v0  }
0x3: {  	vm15 =	vcmask $0xB08;
	v0 =	vsel vm14, $0x80, v0  }
0x4: {  	vm4 =	vcmask $0xF0C;
	v0 =	vsel vm15, $0x100, v0  }
0x5: {  	vm5 =	vcmask $0x1310;
	v0 =	vsel vm4, $0x180, v0  }
0x6: {  	s5 =	rddreg [dreg:$0x0];
	vm6 =	vcmask $0x1714;
	v0 =	vsel vm5, $0x200, v0  }
0x7: {  	s1 =	rddreg [dreg:$0x1];
	vm7 =	vcmask $0x1B18;
	v0 =	vsel vm6, $0x280, v0  }
0x8: {  	s6 =	rddreg [dreg:$0x2];
	vm8 =	vcmask $0x1F1C;
	v0 =	vsel vm7, $0x300, v0  }
0x9: {  	s0 =	rddreg [dreg:$0x3];
	s2 =	simm.s32 $0x0;
	s4 =	srdreg.scid;
	vm9 =	vcmask $0x2320;
	v0 =	vsel vm8, $0x380, v0  }
0xa: {  	s3 =	stileid.u32;
	vm10 =	vcmask $0x2724;
	s10 =	simm.s32 $0x8000;
	s11 =	simm.s32 $0x11080;
	v0 =	vsel vm9, $0x8000, v0  }
0xb: {  	vm11 =	vcmask $0x2B28;
	s12 =	simm.s32 $0x10000;
	s13 =	simm.s32 $0x11980;
	s4 =	sand.u32 $0x1, s4;
	v0 =	vsel vm10, $0x8080, v0  }
0xc: {  	vm12 =	vcmask $0x2F2C;
	s14 =	simm.s32 $0x0;
	[smem:$0x7FF] =	sst s2;
	s7 =	ssub.s32 $0x2, s4;
	v0 =	vsel vm11, $0x8100, v0  }
0xd: {  	vm13 =	vcmask $0x3330;
	s8 =	sshll.u32 s3, $0x8;
	s4 =	sshll.u32 s4, $0x7;
	s9 =	sshrl.u32 s7, $0x1;
	v1 =	vsel vm12, $0x8180, v0  }
0xe: {  	v2 =	vlaneseq.u32;
	_ =	strace $0x80000047;
	vm14 =	vcmask $0x3734;
	s4 =	sor.u32 s4, s8;
	s7 =	ssub.s32 s7, s9;
	v1 =	vsel vm13, $0x8200, v1  }
0xf: {  	v3 =	vimm.f32 $1.000000020e+30;
	vm15 =	vcmask $0x3B38;
	s5 =	sadd.s32 s5, s4;
	s8 =	sshrl.u32 s4, $0x3;
	s9 =	simm.s32 $0x400;
	v1 =	vsel vm14, $0x8280, v1  }
0x10: {  	v2 =	vmul.u32 $0x80, v2;
	s6 =	sadd.s32 s6, s8;
	s7 =	smax.u32 s7, $0x1;
	s8 =	simm.s32 $0x1;
	v0 =	vimm.f32 $0.0e+00;
	v1 =	vsel vm15, $0x8300, v1  }
.LBB2_1:
0x11: {  	[tilespmem:s2], [sflag:$0x1] =	stream.linear.gather [hbm4b:s1+s2], $0x10000, $0x38;
	[tilespmem:$0x11C80] =	vst v63  }
0x12: {  	_ =	swait.ge [sflag:s8], $0x10000  }
0x13: {  	[sflag:s8] =	ssyncset.done $0x0  }
0x14: {  	s15 =	simm.s32 $0x0;
	[sflag:s8] =	ssyncadd.s32 $0xFFFF0000  }
.LBB2_2:
0x15: {  	p0 =	sne.s32 s15, $0x3FC0  }
.Ltmp0:
0x16: {  	_ = 	snop;
	(pc) =	sbr.rel @p0 .LBB2_2-.Ltmp0, $3  }
0x17: {  	_ =	sdelay $0x1  }
0x18: {  	s16 =	sshra.s32 s15, $0x2  }
0x19: {  	s15 =	sadd.s32 $0x40, s15;
	[tilespmem:s16+$0x10000] =	vst v0  }
0x1a: {  	s16 =	simm.s32 $0x0  }
0x1b: {  	s15 =	sand.u32 $0x70, s16;
	s17 =	sand.u32 $0x7C00, s16  }
0x1c: {  	s15 =	sor.u32 s15, s17  }
0x1d: {  	v4 =	vld [tilespmem:s15+$0x0]  }
0x1e: {  	v5 =	vld [tilespmem:s15+$0x80];
	_ =	sdelay $0x1  }
0x1f: {  	v6 =	vld [tilespmem:s15+$0x100];
	_ =	sdelay $0x1  }
0x20: {  	v7 =	vld [tilespmem:s15+$0x180]  }
0x21: {  	v8 =	vmul.f32 v4, v4;
	v9 =	vmul.f32 v5, v5  }
0x22: {  	v10 =	vld [tilespmem:s15+$0x200]  }
0x23: {  	v11 =	vmul.f32 v6, v6;
	v8 =	vadd.f32 v9, v8  }
0x24: {  	s31 =	sand.u32 $0x7, s16;
	v9 =	vld [tilespmem:s15+$0x280]  }
0x25: {  	s17 =	sshll.u32 s31, $0x4;
	v12 =	vmul.f32 v7, v7;
	v8 =	vadd.f32 v11, v8  }
0x26: {  	s17 =	sadd.s32 $0x0, s17;
	v13 =	vld [tilespmem:s15+$0x300]  }
0x27: {  	s18 =	sor.u32 $0x380, s17;
	v11 =	vmul.f32 v10, v10;
	v8 =	vadd.f32 v12, v8  }
0x28: {  	v44 =	vld [tilespmem:s18+$0x0]  }
0x29: {  	v14 =	vmul.f32 v9, v9;
	v8 =	vadd.f32 v11, v8  }
0x2a: {  	v11 =	vld [tilespmem:s15+$0x8000]  }
0x2b: {  	v15 =	vmul.f32 v13, v13;
	v8 =	vadd.f32 v14, v8  }
0x2c: {  	v45 =	vld [tilespmem:s15+$0x8080]  }
0x2d: {  	v12 =	vmul.f32 v44, v44;
	v8 =	vadd.f32 v15, v8  }
0x2e: {  	v46 =	vld [tilespmem:s15+$0x8100]  }
0x2f: {  	v11 =	vmul.f32 v11, v11;
	v8 =	vadd.f32 v12, v8  }
0x30: {  	v47 =	vld [tilespmem:s15+$0x8180]  }
0x31: {  	v14 =	vmul.f32 v45, v45;
	v8 =	vadd.f32 v11, v8  }
0x32: {  	v11 =	vld [tilespmem:s15+$0x8200]  }
0x33: {  	v15 =	vmul.f32 v46, v46;
	v8 =	vadd.f32 v14, v8  }
0x34: {  	v48 =	vld [tilespmem:s15+$0x8280]  }
0x35: {  	v12 =	vmul.f32 v47, v47;
	v8 =	vadd.f32 v15, v8  }
0x36: {  	v49 =	vld [tilespmem:s15+$0x8300]  }
0x37: {  	v11 =	vmul.f32 v11, v11;
	v8 =	vadd.f32 v12, v8  }
0x38: {  	v50 =	vld [tilespmem:s15+$0x8380]  }
0x39: {  	v14 =	vmul.f32 v48, v48;
	v8 =	vadd.f32 v11, v8;
	_ =	sdelay $0x1  }
0x3a: {  	v11 =	vmul.f32 v49, v49;
	v8 =	vadd.f32 v14, v8;
	_ =	sdelay $0x1  }
0x3b: {  	v12 =	vmul.f32 v50, v50;
	v8 =	vadd.f32 v11, v8;
	_ =	sdelay $0x1  }
0x3c: {  	v8 =	vadd.f32 v12, v8;
	_ =	sdelay $0x1  }
0x3d: {  	v11 =	vadd.f32 $1.000000000e+00, v8;
	_ =	sdelay $0x1  }
0x3e: {  	v11 =	vmul.f32 $5.000000000e-01, v11;
	_ =	sdelay $0x1  }
0x3f: {  	(erf) = vrcp.f32 v11;
	_ =	sdelay $0x8  }
0x40: {  	v51 =	vpop (erf)  }
0x41: {  	v12 =	vmul.f32 v51, v8;
	_ =	sdelay $0x1  }
0x42: {  	v11 =	vadd.f32 v12, v11;
	_ =	sdelay $0x1  }
0x43: {  	v11 =	vmul.f32 $5.000000000e-01, v11;
	_ =	sdelay $0x1  }
0x44: {  	(erf) = vrcp.f32 v11;
	_ =	sdelay $0x8  }
0x45: {  	v52 =	vpop (erf)  }
0x46: {  	v12 =	vmul.f32 v52, v8;
	_ =	sdelay $0x1  }
0x47: {  	v11 =	vadd.f32 v12, v11;
	_ =	sdelay $0x1  }
0x48: {  	v11 =	vmul.f32 $5.000000000e-01, v11;
	_ =	sdelay $0x1  }
0x49: {  	(erf) = vrcp.f32 v11;
	_ =	sdelay $0x8  }
0x4a: {  	v53 =	vpop (erf)  }
0x4b: {  	v12 =	vmul.f32 v53, v8;
	_ =	sdelay $0x1  }
0x4c: {  	v11 =	vadd.f32 v12, v11;
	_ =	sdelay $0x1  }
0x4d: {  	v11 =	vmul.f32 $5.000000000e-01, v11;
	_ =	sdelay $0x1  }
0x4e: {  	(erf) = vrcp.f32 v11;
	_ =	sdelay $0x8  }
0x4f: {  	v54 =	vpop (erf)  }
0x50: {  	v12 =	vmul.f32 v54, v8;
	_ =	sdelay $0x1  }
0x51: {  	v11 =	vadd.f32 v12, v11;
	_ =	sdelay $0x1  }
0x52: {  	v11 =	vmul.f32 $5.000000000e-01, v11;
	_ =	sdelay $0x1  }
0x53: {  	(erf) = vrcp.f32 v11;
	_ =	sdelay $0x8  }
0x54: {  	v55 =	vpop (erf)  }
0x55: {  	v12 =	vmul.f32 v55, v8;
	_ =	sdelay $0x1  }
0x56: {  	v11 =	vadd.f32 v12, v11;
	_ =	sdelay $0x1  }
0x57: {  	v11 =	vmul.f32 $5.000000000e-01, v11;
	_ =	sdelay $0x1  }
0x58: {  	(erf) = vrcp.f32 v11;
	_ =	sdelay $0x8  }
0x59: {  	v56 =	vpop (erf)  }
0x5a: {  	v12 =	vmul.f32 v56, v8;
	_ =	sdelay $0x1  }
0x5b: {  	v11 =	vadd.f32 v12, v11;
	_ =	sdelay $0x1  }
0x5c: {  	v11 =	vmul.f32 $5.000000000e-01, v11;
	_ =	sdelay $0x1  }
0x5d: {  	(erf) = vrcp.f32 v11;
	_ =	sdelay $0x8  }
0x5e: {  	v57 =	vpop (erf)  }
0x5f: {  	v12 =	vmul.f32 v57, v8;
	_ =	sdelay $0x1  }
0x60: {  	v11 =	vadd.f32 v12, v11;
	_ =	sdelay $0x1  }
0x61: {  	v11 =	vmul.f32 $5.000000000e-01, v11;
	_ =	sdelay $0x1  }
0x62: {  	(erf) = vrcp.f32 v11;
	_ =	sdelay $0x8  }
0x63: {  	v58 =	vpop (erf)  }
0x64: {  	v12 =	vmul.f32 v58, v8;
	_ =	sdelay $0x1  }
0x65: {  	v11 =	vadd.f32 v12, v11;
	_ =	sdelay $0x1  }
0x66: {  	v11 =	vmul.f32 $5.000000000e-01, v11;
	_ =	sdelay $0x1  }
0x67: {  	(erf) = vrcp.f32 v11;
	_ =	sdelay $0x8  }
0x68: {  	v59 =	vpop (erf)  }
0x69: {  	v12 =	vmul.f32 v59, v8;
	_ =	sdelay $0x1  }
0x6a: {  	v11 =	vadd.f32 v12, v11;
	_ =	sdelay $0x1  }
0x6b: {  	v11 =	vmul.f32 $5.000000000e-01, v11;
	_ =	sdelay $0x1  }
0x6c: {  	(erf) = vrcp.f32 v11;
	_ =	sdelay $0x8  }
0x6d: {  	v60 =	vpop (erf)  }
0x6e: {  	v12 =	vmul.f32 v60, v8;
	_ =	sdelay $0x1  }
0x6f: {  	v11 =	vadd.f32 v12, v11;
	_ =	sdelay $0x1  }
0x70: {  	v11 =	vmul.f32 $5.000000000e-01, v11;
	_ =	sdelay $0x1  }
0x71: {  	(erf) = vrcp.f32 v11;
	_ =	sdelay $0x8  }
0x72: {  	v61 =	vpop (erf)  }
0x73: {  	v12 =	vmul.f32 v61, v8;
	_ =	sdelay $0x1  }
0x74: {  	v11 =	vadd.f32 v12, v11;
	_ =	sdelay $0x1  }
0x75: {  	v11 =	vmul.f32 $5.000000000e-01, v11;
	_ =	sdelay $0x1  }
0x76: {  	(erf) = vrcp.f32 v11;
	_ =	sdelay $0x8  }
0x77: {  	v62 =	vpop (erf)  }
0x78: {  	v8 =	vmul.f32 v62, v8;
	_ =	sdelay $0x1  }
0x79: {  	v8 =	vadd.f32 v8, v11;
	_ =	sdelay $0x1  }
0x7a: {  	v8 =	vmul.f32 $5.000000000e-01, v8;
	_ =	sdelay $0x1  }
0x7b: {  	(erf) = vrcp.f32 v8;
	_ =	sdelay $0x8  }
0x7c: {  	v11 =	vpop (erf)  }
0x7d: {  	v4 =	vmul.f32 v11, v4  }
0x7e: {  	v8 =	vmul.f32 v11, v13  }
0x7f: {  	v6 =	vmul.f32 v11, v6;
	[tilespmem:s15+$0x0] =	vst v4  }
0x80: {  	v5 =	vmul.f32 v11, v5;
	[tilespmem:s15+$0x300] =	vst v8  }
0x81: {  	v4 =	vmul.f32 v11, v7;
	[tilespmem:s15+$0x100] =	vst v6  }
0x82: {  	v63 =	vmul.f32 v11, v10;
	[tilespmem:s15+$0x80] =	vst v5  }
0x83: {  	[tilespmem:s15+$0x180] =	vst v4;
	v4 =	vmul.f32 v11, v9  }
0x84: {  	[tilespmem:s15+$0x200] =	vst v63  }
0x85: {  	[tilespmem:s15+$0x280] =	vst v4  }
0x86: {  	v4 =	vld [tilespmem:s18+$0x0];
	_ =	sdelay $0x4  }
0x87: {  	v4 =	vmul.f32 v11, v4;
	_ =	sdelay $0x1  }
0x88: {  	s17 =	simm.s32 $0x10;
	[tilespmem:s18+$0x0] =	vst v4;
	s18 =	simm.s32 $0x0  }
.LBB2_4:
0x89: {  	p0 =	sne.s32 s17, $0xFF0;
	v4 =	vld [tilespmem:s15+$0x8380];
	s16 =	sadd.s32 $0x80, s16;
	s18 =	sadd.s32 $0x1, s18  }
0x8a: {  	s19 =	smov.u32 s17;
	s17 =	sadd.s32 $0x10, s17;
	v5 =	vld [tilespmem:s15+$0x8280]  }
0x8b: {  	v6 =	vld [tilespmem:s15+$0x8200]  }
0x8c: {  	v7 =	vld [tilespmem:s15+$0x8180]  }
0x8d: {  	v8 =	vld [tilespmem:s15+$0x8300]  }
0x8e: {  	v9 =	vld [tilespmem:s15+$0x8100];
	v4 =	vmul.f32 v11, v4  }
0x8f: {  	s19 =	sand.u32 $0x70, s19;
	s20 =	sand.u32 $0x7C00, s16;
	v10 =	vld [tilespmem:s15+$0x8080];
	v12 =	vmul.f32 v11, v5  }
0x90: {  	s19 =	sor.u32 s19, s20;
	v13 =	vld [tilespmem:s15+$0x8000];
	v6 =	vmul.f32 v11, v6;
	[tilespmem:s15+$0x8380] =	vst v4  }
0x91: {  	v5 =	vld [tilespmem:s19+$0x0];
	v7 =	vmul.f32 v11, v7;
	[tilespmem:s15+$0x8280] =	vst v12  }
0x92: {  	v4 =	vld [tilespmem:s19+$0x80];
	[tilespmem:s15+$0x8200] =	vst v6;
	v8 =	vmul.f32 v11, v8  }
0x93: {  	v6 =	vld [tilespmem:s19+$0x100];
	v9 =	vmul.f32 v11, v9;
	[tilespmem:s15+$0x8180] =	vst v7  }
0x94: {  	v10 =	vmul.f32 v11, v10;
	[tilespmem:s15+$0x8300] =	vst v8  }
0x95: {  	v7 =	vld [tilespmem:s19+$0x180];
	v11 =	vmul.f32 v11, v13;
	[tilespmem:s15+$0x8100] =	vst v9  }
0x96: {  	v9 =	vmul.f32 v5, v5;
	[tilespmem:s15+$0x8080] =	vst v10  }
0x97: {  	v10 =	vmul.f32 v4, v4;
	v8 =	vld [tilespmem:s19+$0x200];
	[tilespmem:s15+$0x8000] =	vst v11;
	s15 =	smov.u32 s19  }
0x98: {  	v11 =	vmul.f32 v6, v6  }
0x99: {  	s19 =	sand.u32 $0x7, s18;
	v10 =	vadd.f32 v10, v9;
	v9 =	vld [tilespmem:s15+$0x280]  }
0x9a: {  	s19 =	sshll.u32 s19, $0x4;
	v12 =	vmul.f32 v7, v7  }
0x9b: {  	s19 =	sadd.s32 s19, s16;
	v11 =	vadd.f32 v11, v10;
	v10 =	vld [tilespmem:s15+$0x300]  }
0x9c: {  	s19 =	sor.u32 $0x380, s19;
	v13 =	vmul.f32 v8, v8  }
0x9d: {  	v11 =	vadd.f32 v12, v11;
	v12 =	vld [tilespmem:s19+$0x0]  }
0x9e: {  	v14 =	vmul.f32 v9, v9  }
0x9f: {  	v11 =	vadd.f32 v13, v11  }
0xa0: {  	v13 =	vmul.f32 v10, v10;
	v15 =	vld [tilespmem:s15+$0x8000]  }
0xa1: {  	v11 =	vadd.f32 v14, v11;
	v14 =	vld [tilespmem:s15+$0x8080]  }
0xa2: {  	v12 =	vmul.f32 v12, v12  }
0xa3: {  	v11 =	vadd.f32 v13, v11;
	v13 =	vld [tilespmem:s15+$0x8100];
	_ =	sdelay $0x1  }
0xa4: {  	v11 =	vadd.f32 v12, v11;
	v12 =	vmul.f32 v15, v15;
	v15 =	vld [tilespmem:s15+$0x8180]  }
0xa5: {  	v14 =	vmul.f32 v14, v14  }
0xa6: {  	v11 =	vadd.f32 v12, v11;
	v12 =	vld [tilespmem:s15+$0x8200]  }
0xa7: {  	v13 =	vmul.f32 v13, v13  }
0xa8: {  	v11 =	vadd.f32 v14, v11;
	v14 =	vld [tilespmem:s15+$0x8280]  }
0xa9: {  	v15 =	vmul.f32 v15, v15  }
0xaa: {  	v11 =	vadd.f32 v13, v11;
	v13 =	vld [tilespmem:s15+$0x8300]  }
0xab: {  	v12 =	vmul.f32 v12, v12  }
0xac: {  	v11 =	vadd.f32 v15, v11;
	v15 =	vld [tilespmem:s15+$0x8380]  }
0xad: {  	v14 =	vmul.f32 v14, v14  }
0xae: {  	v11 =	vadd.f32 v12, v11  }
0xaf: {  	v12 =	vmul.f32 v13, v13  }
0xb0: {  	v11 =	vadd.f32 v14, v11  }
0xb1: {  	v13 =	vmul.f32 v15, v15  }
0xb2: {  	v11 =	vadd.f32 v12, v11;
	_ =	sdelay $0x1  }
0xb3: {  	v11 =	vadd.f32 v13, v11;
	_ =	sdelay $0x1  }
0xb4: {  	v12 =	vadd.f32 $1.000000000e+00, v11;
	_ =	sdelay $0x1  }
0xb5: {  	v12 =	vmul.f32 $5.000000000e-01, v12;
	_ =	sdelay $0x1  }
0xb6: {  	(erf) = vrcp.f32 v12;
	_ =	sdelay $0x8  }
0xb7: {  	v13 =	vpop (erf)  }
0xb8: {  	v13 =	vmul.f32 v13, v11;
	_ =	sdelay $0x1  }
0xb9: {  	v12 =	vadd.f32 v13, v12;
	_ =	sdelay $0x1  }
0xba: {  	v12 =	vmul.f32 $5.000000000e-01, v12;
	_ =	sdelay $0x1  }
0xbb: {  	(erf) = vrcp.f32 v12;
	_ =	sdelay $0x8  }
0xbc: {  	v13 =	vpop (erf)  }
0xbd: {  	v13 =	vmul.f32 v13, v11;
	_ =	sdelay $0x1  }
0xbe: {  	v12 =	vadd.f32 v13, v12;
	_ =	sdelay $0x1  }
0xbf: {  	v12 =	vmul.f32 $5.000000000e-01, v12;
	_ =	sdelay $0x1  }
0xc0: {  	(erf) = vrcp.f32 v12;
	_ =	sdelay $0x8  }
0xc1: {  	v13 =	vpop (erf)  }
0xc2: {  	v13 =	vmul.f32 v13, v11;
	_ =	sdelay $0x1  }
0xc3: {  	v12 =	vadd.f32 v13, v12;
	_ =	sdelay $0x1  }
0xc4: {  	v12 =	vmul.f32 $5.000000000e-01, v12;
	_ =	sdelay $0x1  }
0xc5: {  	(erf) = vrcp.f32 v12;
	_ =	sdelay $0x8  }
0xc6: {  	v13 =	vpop (erf)  }
0xc7: {  	v13 =	vmul.f32 v13, v11;
	_ =	sdelay $0x1  }
0xc8: {  	v12 =	vadd.f32 v13, v12;
	_ =	sdelay $0x1  }
0xc9: {  	v12 =	vmul.f32 $5.000000000e-01, v12;
	_ =	sdelay $0x1  }
0xca: {  	(erf) = vrcp.f32 v12;
	_ =	sdelay $0x8  }
0xcb: {  	v13 =	vpop (erf)  }
0xcc: {  	v13 =	vmul.f32 v13, v11;
	_ =	sdelay $0x1  }
0xcd: {  	v12 =	vadd.f32 v13, v12;
	_ =	sdelay $0x1  }
0xce: {  	v12 =	vmul.f32 $5.000000000e-01, v12;
	_ =	sdelay $0x1  }
0xcf: {  	(erf) = vrcp.f32 v12;
	_ =	sdelay $0x8  }
0xd0: {  	v13 =	vpop (erf)  }
0xd1: {  	v13 =	vmul.f32 v13, v11;
	_ =	sdelay $0x1  }
0xd2: {  	v12 =	vadd.f32 v13, v12;
	_ =	sdelay $0x1  }
0xd3: {  	v12 =	vmul.f32 $5.000000000e-01, v12;
	_ =	sdelay $0x1  }
0xd4: {  	(erf) = vrcp.f32 v12;
	_ =	sdelay $0x8  }
0xd5: {  	v13 =	vpop (erf)  }
0xd6: {  	v13 =	vmul.f32 v13, v11;
	_ =	sdelay $0x1  }
0xd7: {  	v12 =	vadd.f32 v13, v12;
	_ =	sdelay $0x1  }
0xd8: {  	v12 =	vmul.f32 $5.000000000e-01, v12;
	_ =	sdelay $0x1  }
0xd9: {  	(erf) = vrcp.f32 v12;
	_ =	sdelay $0x8  }
0xda: {  	v13 =	vpop (erf)  }
0xdb: {  	v13 =	vmul.f32 v13, v11;
	_ =	sdelay $0x1  }
0xdc: {  	v12 =	vadd.f32 v13, v12;
	_ =	sdelay $0x1  }
0xdd: {  	v12 =	vmul.f32 $5.000000000e-01, v12;
	_ =	sdelay $0x1  }
0xde: {  	(erf) = vrcp.f32 v12;
	_ =	sdelay $0x8  }
0xdf: {  	v13 =	vpop (erf)  }
0xe0: {  	v13 =	vmul.f32 v13, v11;
	_ =	sdelay $0x1  }
0xe1: {  	v12 =	vadd.f32 v13, v12;
	_ =	sdelay $0x1  }
0xe2: {  	v12 =	vmul.f32 $5.000000000e-01, v12;
	_ =	sdelay $0x1  }
0xe3: {  	(erf) = vrcp.f32 v12;
	_ =	sdelay $0x8  }
0xe4: {  	v13 =	vpop (erf)  }
0xe5: {  	v13 =	vmul.f32 v13, v11;
	_ =	sdelay $0x1  }
0xe6: {  	v12 =	vadd.f32 v13, v12;
	_ =	sdelay $0x1  }
0xe7: {  	v12 =	vmul.f32 $5.000000000e-01, v12;
	_ =	sdelay $0x1  }
0xe8: {  	(erf) = vrcp.f32 v12;
	_ =	sdelay $0x8  }
0xe9: {  	v13 =	vpop (erf)  }
0xea: {  	v13 =	vmul.f32 v13, v11;
	_ =	sdelay $0x1  }
0xeb: {  	v12 =	vadd.f32 v13, v12;
	_ =	sdelay $0x1  }
0xec: {  	v12 =	vmul.f32 $5.000000000e-01, v12;
	_ =	sdelay $0x1  }
0xed: {  	(erf) = vrcp.f32 v12;
	_ =	sdelay $0x8  }
0xee: {  	v13 =	vpop (erf)  }
0xef: {  	v11 =	vmul.f32 v13, v11;
	_ =	sdelay $0x1  }
0xf0: {  	v11 =	vadd.f32 v11, v12;
	_ =	sdelay $0x1  }
0xf1: {  	v11 =	vmul.f32 $5.000000000e-01, v11;
	_ =	sdelay $0x1  }
0xf2: {  	(erf) = vrcp.f32 v11;
	_ =	sdelay $0x8  }
0xf3: {  	v11 =	vpop (erf)  }
0xf4: {  	v5 =	vmul.f32 v11, v5;
	v10 =	vmul.f32 v11, v10  }
0xf5: {  	v6 =	vmul.f32 v11, v6;
	v8 =	vmul.f32 v11, v8  }
0xf6: {  	v4 =	vmul.f32 v11, v4;
	[tilespmem:s15+$0x0] =	vst v5;
	v5 =	vmul.f32 v11, v7  }
0xf7: {  	v7 =	vmul.f32 v11, v9;
	[tilespmem:s15+$0x300] =	vst v10  }
0xf8: {  	[tilespmem:s15+$0x100] =	vst v6  }
0xf9: {  	[tilespmem:s15+$0x180] =	vst v5  }
0xfa: {  	[tilespmem:s15+$0x80] =	vst v4  }
0xfb: {  	[tilespmem:s15+$0x200] =	vst v8  }
0xfc: {  	[tilespmem:s15+$0x280] =	vst v7  }
0xfd: {  	v4 =	vld [tilespmem:s19+$0x0];
	_ =	sdelay $0x2  }
.Ltmp1:
0xfe: {  	(pc) =	sbr.rel @p0 .LBB2_4-.Ltmp1, $3  }
0xff: {  	_ = 	snop  }
0x100: {  	v4 =	vmul.f32 v11, v4;
	_ =	sdelay $0x1  }
0x101: {  	[tilespmem:s19+$0x0] =	vst v4  }
0x102: {  	v4 =	vld [tilespmem:s15+$0x8380]  }
0x103: {  	v5 =	vld [tilespmem:s15+$0x8280]  }
0x104: {  	v6 =	vld [tilespmem:s15+$0x8200]  }
0x105: {  	v7 =	vld [tilespmem:s15+$0x8180]  }
0x106: {  	v8 =	vld [tilespmem:s15+$0x8300]  }
0x107: {  	v9 =	vld [tilespmem:s15+$0x8100];
	v4 =	vmul.f32 v11, v4  }
0x108: {  	v10 =	vld [tilespmem:s15+$0x8080];
	v5 =	vmul.f32 v11, v5  }
0x109: {  	v12 =	vld [tilespmem:s15+$0x8000];
	v6 =	vmul.f32 v11, v6;
	[tilespmem:s15+$0x8380] =	vst v4  }
0x10a: {  	v4 =	vmul.f32 v11, v7;
	[tilespmem:s15+$0x8280] =	vst v5  }
0x10b: {  	[tilespmem:s15+$0x8200] =	vst v6;
	v5 =	vmul.f32 v11, v8  }
0x10c: {  	v6 =	vmul.f32 v11, v9;
	[tilespmem:s15+$0x8180] =	vst v4  }
0x10d: {  	v4 =	vmul.f32 v11, v10;
	[tilespmem:s15+$0x8300] =	vst v5  }
0x10e: {  	v5 =	vmul.f32 v11, v12;
	[tilespmem:s15+$0x8100] =	vst v6  }
0x10f: {  	[tilespmem:s15+$0x8080] =	vst v4  }
0x110: {  	[tilespmem:s15+$0x8000] =	vst v5  }
0x111: {  	[tilespmem:s11], [sflag:$0x1] =	stream.strided.gather [hbm4b:s5+s9], $0x800, s10, s9, $0x38;
	[tilespmem:$0x11C80] =	vst v63  }
0x112: {  	_ =	swait.ge [sflag:s8], $0x800  }
0x113: {  	[sflag:s8] =	ssyncset.done $0x0  }
0x114: {  	s15 =	simm.s32 $0x0;
	[sflag:s8] =	ssyncadd.s32 $0xFFFFF800  }
0x115: {  	v4 =	vld [tilespmem:s15+$0x11080]  }
0x116: {  	v5 =	vld [tilespmem:s15+$0x11100];
	_ =	sdelay $0x1  }
0x117: {  	v6 =	vld [tilespmem:s15+$0x11180];
	_ =	sdelay $0x1  }
0x118: {  	v7 =	vld [tilespmem:s15+$0x11200]  }
0x119: {  	v4 =	vmul.f32 v4, v4;
	v5 =	vmul.f32 v5, v5  }
0x11a: {  	v8 =	vld [tilespmem:s15+$0x11280]  }
0x11b: {  	v6 =	vmul.f32 v6, v6;
	v4 =	vadd.f32 v5, v4  }
0x11c: {  	v5 =	vld [tilespmem:s15+$0x11300]  }
0x11d: {  	v7 =	vmul.f32 v7, v7;
	v4 =	vadd.f32 v6, v4  }
0x11e: {  	v6 =	vld [tilespmem:s15+$0x11380]  }
0x11f: {  	v8 =	vmul.f32 v8, v8;
	v4 =	vadd.f32 v7, v4  }
0x120: {  	v7 =	vld [tilespmem:s15+$0x11400]  }
0x121: {  	v5 =	vmul.f32 v5, v5;
	v4 =	vadd.f32 v8, v4  }
0x122: {  	v8 =	vld [tilespmem:s15+$0x11480]  }
0x123: {  	v4 =	vadd.f32 v5, v4;
	v5 =	vmul.f32 v6, v6  }
0x124: {  	v6 =	vld [tilespmem:s15+$0x11500]  }
0x125: {  	v4 =	vadd.f32 v5, v4;
	v5 =	vmul.f32 v7, v7  }
0x126: {  	v7 =	vld [tilespmem:s15+$0x11580]  }
0x127: {  	v4 =	vadd.f32 v5, v4;
	v5 =	vmul.f32 v8, v8  }
0x128: {  	v8 =	vld [tilespmem:s15+$0x11600]  }
0x129: {  	v4 =	vadd.f32 v5, v4;
	v5 =	vmul.f32 v6, v6  }
0x12a: {  	v6 =	vld [tilespmem:s15+$0x11680]  }
0x12b: {  	v7 =	vmul.f32 v7, v7;
	v4 =	vadd.f32 v5, v4  }
0x12c: {  	v5 =	vld [tilespmem:s15+$0x11700]  }
0x12d: {  	v8 =	vmul.f32 v8, v8;
	v4 =	vadd.f32 v7, v4  }
0x12e: {  	v7 =	vld [tilespmem:s15+$0x11780]  }
0x12f: {  	v6 =	vmul.f32 v6, v6;
	v4 =	vadd.f32 v8, v4  }
0x130: {  	v8 =	vld [tilespmem:s15+$0x11800]  }
0x131: {  	v5 =	vmul.f32 v5, v5;
	v4 =	vadd.f32 v6, v4;
	_ =	sdelay $0x1  }
0x132: {  	v4 =	vadd.f32 v5, v4;
	v5 =	vmul.f32 v7, v7;
	_ =	sdelay $0x1  }
0x133: {  	v4 =	vadd.f32 v5, v4;
	v5 =	vmul.f32 v8, v8;
	_ =	sdelay $0x1  }
0x134: {  	v4 =	vadd.f32 v5, v4;
	_ =	sdelay $0x1  }
0x135: {  	s17 =	simm.s32 $0x10;
	v5 =	vadd.f32 $1.000000000e+00, v4  }
0x136: {  	v6 =	vld [tilespmem:s17+$0x11080]  }
0x137: {  	v7 =	vld [tilespmem:s17+$0x11100];
	v5 =	vmul.f32 $5.000000000e-01, v5;
	_ =	sdelay $0x1  }
0x138: {  	v8 =	vld [tilespmem:s17+$0x11180];
	(erf) = vrcp.f32 v5;
	_ =	sdelay $0x1  }
0x139: {  	v9 =	vld [tilespmem:s17+$0x11200]  }
0x13a: {  	v6 =	vmul.f32 v6, v6;
	v7 =	vmul.f32 v7, v7  }
0x13b: {  	v10 =	vld [tilespmem:s17+$0x11280]  }
0x13c: {  	v8 =	vmul.f32 v8, v8;
	v6 =	vadd.f32 v7, v6  }
0x13d: {  	v7 =	vld [tilespmem:s17+$0x11300]  }
0x13e: {  	v9 =	vmul.f32 v9, v9;
	v6 =	vadd.f32 v8, v6  }
0x13f: {  	v8 =	vld [tilespmem:s17+$0x11380]  }
0x140: {  	v10 =	vmul.f32 v10, v10;
	v6 =	vadd.f32 v9, v6;
	v11 =	vpop (erf)  }
0x141: {  	v9 =	vmul.f32 v11, v4;
	v11 =	vld [tilespmem:s17+$0x11400]  }
0x142: {  	v7 =	vmul.f32 v7, v7;
	v6 =	vadd.f32 v10, v6  }
0x143: {  	v5 =	vadd.f32 v9, v5;
	v9 =	vld [tilespmem:s17+$0x11480]  }
0x144: {  	v6 =	vadd.f32 v7, v6;
	v7 =	vmul.f32 v8, v8  }
0x145: {  	v8 =	vld [tilespmem:s17+$0x11500];
	v5 =	vmul.f32 $5.000000000e-01, v5  }
0x146: {  	v6 =	vadd.f32 v7, v6;
	v7 =	vmul.f32 v11, v11  }
0x147: {  	v10 =	vld [tilespmem:s17+$0x11580];
	(erf) = vrcp.f32 v5  }
0x148: {  	v6 =	vadd.f32 v7, v6;
	v7 =	vmul.f32 v9, v9  }
0x149: {  	v9 =	vld [tilespmem:s17+$0x11600]  }
0x14a: {  	v6 =	vadd.f32 v7, v6;
	v7 =	vmul.f32 v8, v8  }
0x14b: {  	v8 =	vld [tilespmem:s17+$0x11680]  }
0x14c: {  	v10 =	vmul.f32 v10, v10;
	v6 =	vadd.f32 v7, v6  }
0x14d: {  	v7 =	vld [tilespmem:s17+$0x11700]  }
0x14e: {  	v9 =	vmul.f32 v9, v9;
	v6 =	vadd.f32 v10, v6  }
0x14f: {  	v10 =	vld [tilespmem:s17+$0x11780]  }
0x150: {  	v8 =	vmul.f32 v8, v8;
	v11 =	vpop (erf);
	v6 =	vadd.f32 v9, v6  }
0x151: {  	v9 =	vmul.f32 v11, v4;
	v11 =	vld [tilespmem:s17+$0x11800]  }
0x152: {  	v7 =	vmul.f32 v7, v7;
	v6 =	vadd.f32 v8, v6  }
0x153: {  	v5 =	vadd.f32 v9, v5  }
0x154: {  	v6 =	vadd.f32 v7, v6;
	v7 =	vmul.f32 v10, v10  }
0x155: {  	v8 =	vmul.f32 $5.000000000e-01, v5  }
0x156: {  	v5 =	vadd.f32 v7, v6;
	v6 =	vmul.f32 v11, v11  }
0x157: {  	(erf) = vrcp.f32 v8  }
0x158: {  	v5 =	vadd.f32 v6, v5  }
0x159: {  	s18 =	simm.s32 $0x20  }
0x15a: {  	v9 =	vld [tilespmem:s18+$0x11100];
	v6 =	vadd.f32 $1.000000000e+00, v5  }
0x15b: {  	v7 =	vld [tilespmem:s18+$0x11080]  }
0x15c: {  	v6 =	vmul.f32 $5.000000000e-01, v6  }
0x15d: {  	v10 =	vld [tilespmem:s18+$0x11180]  }
0x15e: {  	v12 =	vld [tilespmem:s18+$0x11200];
	(erf) = vrcp.f32 v6;
	_ =	sdelay $0x1  }
0x15f: {  	v9 =	vmul.f32 v9, v9;
	v7 =	vmul.f32 v7, v7;
	v11 =	vpop (erf)  }
0x160: {  	v13 =	vld [tilespmem:s18+$0x11280];
	v11 =	vmul.f32 v11, v4  }
0x161: {  	v10 =	vmul.f32 v10, v10;
	v7 =	vadd.f32 v9, v7  }
0x162: {  	v9 =	vld [tilespmem:s18+$0x11300];
	v8 =	vadd.f32 v11, v8;
	v11 =	vmul.f32 v12, v12  }
0x163: {  	v7 =	vadd.f32 v10, v7  }
0x164: {  	v10 =	vld [tilespmem:s18+$0x11380];
	v8 =	vmul.f32 $5.000000000e-01, v8  }
0x165: {  	v12 =	vmul.f32 v13, v13;
	v7 =	vadd.f32 v11, v7  }
0x166: {  	v13 =	vld [tilespmem:s18+$0x11400];
	(erf) = vrcp.f32 v8;
	v11 =	vpop (erf)  }
0x167: {  	v9 =	vmul.f32 v9, v9;
	v7 =	vadd.f32 v12, v7;
	v11 =	vmul.f32 v11, v5  }
0x168: {  	v12 =	vld [tilespmem:s18+$0x11480]  }
0x169: {  	v7 =	vadd.f32 v9, v7;
	v9 =	vmul.f32 v10, v10;
	v6 =	vadd.f32 v11, v6  }
0x16a: {  	v10 =	vld [tilespmem:s18+$0x11500]  }
0x16b: {  	v7 =	vadd.f32 v9, v7;
	v9 =	vmul.f32 v13, v13;
	v6 =	vmul.f32 $5.000000000e-01, v6  }
0x16c: {  	v11 =	vld [tilespmem:s18+$0x11580]  }
0x16d: {  	v13 =	vld [tilespmem:s18+$0x11600];
	v7 =	vadd.f32 v9, v7;
	v9 =	vmul.f32 v12, v12;
	(erf) = vrcp.f32 v6;
	_ =	sdelay $0x1  }
0x16e: {  	v7 =	vadd.f32 v9, v7;
	v9 =	vmul.f32 v10, v10;
	v12 =	vpop (erf)  }
0x16f: {  	v10 =	vld [tilespmem:s18+$0x11680];
	v12 =	vmul.f32 v12, v4  }
0x170: {  	v11 =	vmul.f32 v11, v11;
	v7 =	vadd.f32 v9, v7  }
0x171: {  	v9 =	vld [tilespmem:s18+$0x11700];
	v8 =	vadd.f32 v12, v8;
	v12 =	vmul.f32 v13, v13  }
0x172: {  	v7 =	vadd.f32 v11, v7  }
0x173: {  	v11 =	vld [tilespmem:s18+$0x11780];
	v8 =	vmul.f32 $5.000000000e-01, v8  }
0x174: {  	v10 =	vmul.f32 v10, v10;
	v7 =	vadd.f32 v12, v7  }
0x175: {  	v13 =	vld [tilespmem:s18+$0x11800];
	(erf) = vrcp.f32 v8;
	v12 =	vpop (erf)  }
0x176: {  	v9 =	vmul.f32 v9, v9;
	v7 =	vadd.f32 v10, v7;
	v12 =	vmul.f32 v12, v5;
	_ =	sdelay $0x1  }
0x177: {  	v7 =	vadd.f32 v9, v7;
	v9 =	vmul.f32 v11, v11;
	v6 =	vadd.f32 v12, v6;
	_ =	sdelay $0x1  }
0x178: {  	v10 =	vmul.f32 $5.000000000e-01, v6;
	v6 =	vadd.f32 v9, v7;
	v7 =	vmul.f32 v13, v13;
	_ =	sdelay $0x2  }
0x179: {  	(erf) = vrcp.f32 v10  }
0x17a: {  	v6 =	vadd.f32 v7, v6;
	v7 =	vpop (erf)  }
0x17b: {  	v7 =	vmul.f32 v7, v4  }
0x17c: {  	s19 =	simm.s32 $0x30;
	v9 =	vadd.f32 $1.000000000e+00, v6  }
0x17d: {  	v11 =	vld [tilespmem:s19+$0x11100];
	v7 =	vadd.f32 v7, v8  }
0x17e: {  	v9 =	vmul.f32 $5.000000000e-01, v9;
	v8 =	vld [tilespmem:s19+$0x11080]  }
0x17f: {  	v7 =	vmul.f32 $5.000000000e-01, v7  }
0x180: {  	v12 =	vld [tilespmem:s19+$0x11180];
	(erf) = vrcp.f32 v9  }
0x181: {  	(erf) = vrcp.f32 v7  }
0x182: {  	v14 =	vld [tilespmem:s19+$0x11200];
	v11 =	vmul.f32 v11, v11;
	v13 =	vpop (erf)  }
0x183: {  	v13 =	vmul.f32 v13, v5;
	v8 =	vmul.f32 v8, v8  }
0x184: {  	v15 =	vld [tilespmem:s19+$0x11280]  }
0x185: {  	v12 =	vmul.f32 v12, v12;
	v10 =	vadd.f32 v13, v10;
	v8 =	vadd.f32 v11, v8  }
0x186: {  	v11 =	vld [tilespmem:s19+$0x11300]  }
0x187: {  	v13 =	vmul.f32 v14, v14;
	v10 =	vmul.f32 $5.000000000e-01, v10;
	v8 =	vadd.f32 v12, v8  }
0x188: {  	v12 =	vld [tilespmem:s19+$0x11380]  }
0x189: {  	v15 =	vmul.f32 v15, v15;
	v14 =	vpop (erf);
	(erf) = vrcp.f32 v10;
	v8 =	vadd.f32 v13, v8  }
0x18a: {  	v16 =	vld [tilespmem:s19+$0x11400];
	v13 =	vmul.f32 v14, v6;
	v14 =	vpop (erf)  }
0x18b: {  	v11 =	vmul.f32 v11, v11;
	v8 =	vadd.f32 v15, v8;
	v14 =	vmul.f32 v14, v4  }
0x18c: {  	v9 =	vadd.f32 v13, v9;
	v13 =	vld [tilespmem:s19+$0x11480]  }
0x18d: {  	v8 =	vadd.f32 v11, v8;
	v11 =	vmul.f32 v12, v12;
	v7 =	vadd.f32 v14, v7  }
0x18e: {  	v9 =	vmul.f32 $5.000000000e-01, v9;
	v12 =	vld [tilespmem:s19+$0x11500]  }
0x18f: {  	v8 =	vadd.f32 v11, v8;
	v11 =	vmul.f32 v16, v16;
	v7 =	vmul.f32 $5.000000000e-01, v7  }
0x190: {  	v14 =	vld [tilespmem:s19+$0x11580];
	(erf) = vrcp.f32 v9  }
0x191: {  	v8 =	vadd.f32 v11, v8;
	v11 =	vmul.f32 v13, v13;
	(erf) = vrcp.f32 v7  }
0x192: {  	v15 =	vld [tilespmem:s19+$0x11600];
	v13 =	vpop (erf)  }
0x193: {  	v13 =	vmul.f32 v13, v5;
	v8 =	vadd.f32 v11, v8;
	v11 =	vmul.f32 v12, v12  }
0x194: {  	v12 =	vld [tilespmem:s19+$0x11680]  }
0x195: {  	v10 =	vadd.f32 v13, v10;
	v13 =	vmul.f32 v14, v14;
	v8 =	vadd.f32 v11, v8  }
0x196: {  	v11 =	vld [tilespmem:s19+$0x11700]  }
0x197: {  	v14 =	vmul.f32 v15, v15;
	v8 =	vadd.f32 v13, v8  }
0x198: {  	v10 =	vmul.f32 $5.000000000e-01, v10;
	v13 =	vld [tilespmem:s19+$0x11780]  }
0x199: {  	v15 =	vpop (erf);
	v12 =	vmul.f32 v12, v12;
	v8 =	vadd.f32 v14, v8  }
0x19a: {  	v16 =	vld [tilespmem:s19+$0x11800];
	(erf) = vrcp.f32 v10;
	v14 =	vmul.f32 v15, v6;
	v15 =	vpop (erf)  }
0x19b: {  	v11 =	vmul.f32 v11, v11;
	v8 =	vadd.f32 v12, v8;
	v15 =	vmul.f32 v15, v4  }
0x19c: {  	v9 =	vadd.f32 v14, v9  }
0x19d: {  	v8 =	vadd.f32 v11, v8;
	v11 =	vmul.f32 v13, v13;
	v7 =	vadd.f32 v15, v7  }
0x19e: {  	v9 =	vmul.f32 $5.000000000e-01, v9  }
0x19f: {  	v12 =	vmul.f32 $5.000000000e-01, v7;
	v7 =	vadd.f32 v11, v8;
	v8 =	vmul.f32 v16, v16  }
0x1a0: {  	(erf) = vrcp.f32 v9  }
0x1a1: {  	(erf) = vrcp.f32 v12  }
0x1a2: {  	s20 =	simm.s32 $0x40;
	v7 =	vadd.f32 v8, v7  }
0x1a3: {  	v14 =	vld [tilespmem:s20+$0x11100];
	v8 =	vpop (erf)  }
0x1a4: {  	v11 =	vld [tilespmem:s20+$0x11080];
	v13 =	vadd.f32 $1.000000000e+00, v7;
	v8 =	vmul.f32 v8, v5;
	_ =	sdelay $0x1  }
0x1a5: {  	v8 =	vadd.f32 v8, v10;
	v10 =	vmul.f32 $5.000000000e-01, v13;
	v13 =	vld [tilespmem:s20+$0x11180];
	_ =	sdelay $0x1  }
0x1a6: {  	v15 =	vld [tilespmem:s20+$0x11200];
	v8 =	vmul.f32 $5.000000000e-01, v8;
	(erf) = vrcp.f32 v10  }
0x1a7: {  	v14 =	vmul.f32 v14, v14;
	v11 =	vmul.f32 v11, v11;
	v16 =	vpop (erf)  }
0x1a8: {  	v18 =	vld [tilespmem:s20+$0x11280];
	v16 =	vmul.f32 v16, v6;
	(erf) = vrcp.f32 v8;
	v17 =	vpop (erf)  }
0x1a9: {  	v11 =	vadd.f32 v14, v11;
	v17 =	vmul.f32 v17, v4;
	v13 =	vmul.f32 v13, v13  }
0x1aa: {  	v14 =	vld [tilespmem:s20+$0x11300];
	v9 =	vadd.f32 v16, v9  }
0x1ab: {  	v15 =	vmul.f32 v15, v15;
	v12 =	vadd.f32 v17, v12;
	v11 =	vadd.f32 v13, v11  }
0x1ac: {  	v9 =	vmul.f32 $5.000000000e-01, v9;
	v13 =	vld [tilespmem:s20+$0x11380]  }
0x1ad: {  	v16 =	vmul.f32 v18, v18;
	v12 =	vmul.f32 $5.000000000e-01, v12;
	v11 =	vadd.f32 v15, v11  }
0x1ae: {  	v17 =	vld [tilespmem:s20+$0x11400];
	(erf) = vrcp.f32 v9  }
0x1af: {  	v14 =	vmul.f32 v14, v14;
	v15 =	vpop (erf);
	(erf) = vrcp.f32 v12;
	v11 =	vadd.f32 v16, v11  }
0x1b0: {  	v18 =	vld [tilespmem:s20+$0x11480];
	v15 =	vmul.f32 v15, v7  }
0x1b1: {  	v13 =	vmul.f32 v13, v13;
	v16 =	vpop (erf);
	v11 =	vadd.f32 v14, v11  }
0x1b2: {  	v14 =	vld [tilespmem:s20+$0x11500];
	v16 =	vmul.f32 v16, v5;
	v10 =	vadd.f32 v15, v10  }
0x1b3: {  	v11 =	vadd.f32 v13, v11;
	v13 =	vmul.f32 v17, v17  }
0x1b4: {  	v15 =	vld [tilespmem:s20+$0x11580];
	v8 =	vadd.f32 v16, v8;
	v10 =	vmul.f32 $5.000000000e-01, v10  }
0x1b5: {  	v11 =	vadd.f32 v13, v11;
	v13 =	vmul.f32 v18, v18  }
0x1b6: {  	v16 =	vld [tilespmem:s20+$0x11600];
	v8 =	vmul.f32 $5.000000000e-01, v8;
	(erf) = vrcp.f32 v10  }
0x1b7: {  	v17 =	vpop (erf);
	v11 =	vadd.f32 v13, v11;
	v13 =	vmul.f32 v14, v14  }
0x1b8: {  	v18 =	vld [tilespmem:s20+$0x11680];
	v14 =	vmul.f32 v17, v6;
	(erf) = vrcp.f32 v8;
	v17 =	vpop (erf)  }
0x1b9: {  	v15 =	vmul.f32 v15, v15;
	v17 =	vmul.f32 v17, v4;
	v11 =	vadd.f32 v13, v11  }
0x1ba: {  	v9 =	vadd.f32 v14, v9;
	v13 =	vld [tilespmem:s20+$0x11700]  }
0x1bb: {  	v16 =	vmul.f32 v16, v16;
	v14 =	vadd.f32 v17, v12;
	v11 =	vadd.f32 v15, v11  }
0x1bc: {  	v12 =	vmul.f32 $5.000000000e-01, v9  }
0x1bd: {  	v15 =	vld [tilespmem:s20+$0x11780];
	v9 =	vmul.f32 $5.000000000e-01, v14;
	v14 =	vmul.f32 v18, v18;
	v11 =	vadd.f32 v16, v11  }
0x1be: {  	v16 =	vld [tilespmem:s20+$0x11800]  }
0x1bf: {  	(erf) = vrcp.f32 v12;
	v13 =	vmul.f32 v13, v13;
	v17 =	vpop (erf);
	v11 =	vadd.f32 v14, v11  }
0x1c0: {  	v14 =	vmul.f32 v17, v7  }
0x1c1: {  	(erf) = vrcp.f32 v9;
	v17 =	vpop (erf);
	v11 =	vadd.f32 v13, v11  }
0x1c2: {  	v13 =	vmul.f32 v15, v15;
	v17 =	vmul.f32 v17, v5;
	v10 =	vadd.f32 v14, v10  }
0x1c3: {  	v14 =	vmul.f32 v16, v16  }
0x1c4: {  	v13 =	vadd.f32 v13, v11;
	v8 =	vadd.f32 v17, v8;
	v11 =	vmul.f32 $5.000000000e-01, v10;
	_ =	sdelay $0x1  }
0x1c5: {  	v10 =	vmul.f32 $5.000000000e-01, v8;
	(erf) = vrcp.f32 v11  }
0x1c6: {  	v8 =	vadd.f32 v14, v13  }
0x1c7: {  	s21 =	simm.s32 $0x50;
	v14 =	vpop (erf);
	(erf) = vrcp.f32 v10  }
0x1c8: {  	v13 =	vld [tilespmem:s21+$0x11080];
	v16 =	vmul.f32 v14, v6;
	v15 =	vadd.f32 $1.000000000e+00, v8  }
0x1c9: {  	s16 =	simm.s32 $0x0;
	s22 =	simm.s32 $0x180;
	v14 =	vpop (erf)  }
.LBB2_6:
0x1ca: {  	p0 =	sne.s32 s22, $0x1C0;
	v17 =	vld [tilespmem:s21+$0x11100];
	v15 =	vmul.f32 $5.000000000e-01, v15;
	v12 =	vadd.f32 v16, v12;
	v14 =	vmul.f32 v14, v4;
	s23 =	smov.u32 s18;
	s18 =	smov.u32 s19  }
0x1cb: {  	s19 =	smov.u32 s20;
	s20 =	smov.u32 s21;
	v16 =	vld [tilespmem:s21+$0x11180]  }
0x1cc: {  	(erf) = vrcp.f32 v15;
	v12 =	vmul.f32 $5.000000000e-01, v12;
	v9 =	vadd.f32 v14, v9  }
0x1cd: {  	v13 =	vmul.f32 v13, v13;
	v14 =	vld [tilespmem:s20+$0x11200]  }
0x1ce: {  	v18 =	vpop (erf);
	(erf) = vrcp.f32 v12;
	v9 =	vmul.f32 $5.000000000e-01, v9  }
0x1cf: {  	v17 =	vmul.f32 v17, v17;
	v19 =	vld [tilespmem:s20+$0x11280];
	v18 =	vmul.f32 v18, v7  }
0x1d0: {  	v16 =	vmul.f32 v16, v16;
	v20 =	vpop (erf);
	(erf) = vrcp.f32 v9  }
0x1d1: {  	v13 =	vadd.f32 v17, v13;
	v11 =	vadd.f32 v18, v11;
	v17 =	vmul.f32 v20, v5  }
0x1d2: {  	v20 =	vmul.f32 v14, v14;
	v18 =	vld [tilespmem:s20+$0x11300]  }
0x1d3: {  	v13 =	vadd.f32 v16, v13;
	v11 =	vmul.f32 $5.000000000e-01, v11;
	v10 =	vadd.f32 v17, v10  }
0x1d4: {  	v16 =	vmul.f32 v19, v19;
	v17 =	vld [tilespmem:s20+$0x11380]  }
0x1d5: {  	v13 =	vadd.f32 v20, v13;
	v14 =	vpop (erf);
	(erf) = vrcp.f32 v11;
	v10 =	vmul.f32 $5.000000000e-01, v10  }
0x1d6: {  	v19 =	vld [tilespmem:s20+$0x11400];
	v14 =	vmul.f32 v14, v8  }
0x1d7: {  	v13 =	vadd.f32 v16, v13;
	v16 =	vmul.f32 v18, v18;
	v18 =	vpop (erf);
	(erf) = vrcp.f32 v10  }
0x1d8: {  	v20 =	vld [tilespmem:s20+$0x11480];
	v14 =	vadd.f32 v14, v15;
	v15 =	vmul.f32 v18, v6  }
0x1d9: {  	v13 =	vadd.f32 v16, v13;
	v16 =	vmul.f32 v17, v17;
	v17 =	vpop (erf)  }
0x1da: {  	v18 =	vld [tilespmem:s20+$0x11500];
	v14 =	vmul.f32 $5.000000000e-01, v14;
	v12 =	vadd.f32 v15, v12;
	v15 =	vmul.f32 v17, v4  }
0x1db: {  	v13 =	vadd.f32 v16, v13;
	v21 =	vmul.f32 v19, v19;
	v17 =	vld [tilespmem:s20+$0x11580]  }
0x1dc: {  	(erf) = vrcp.f32 v14;
	v19 =	vmul.f32 $5.000000000e-01, v12;
	v9 =	vadd.f32 v15, v9  }
0x1dd: {  	v12 =	vadd.f32 v21, v13;
	v13 =	vmul.f32 v20, v20;
	v15 =	vld [tilespmem:s20+$0x11600]  }
0x1de: {  	v16 =	vpop (erf);
	(erf) = vrcp.f32 v19;
	v20 =	vmul.f32 $5.000000000e-01, v9  }
0x1df: {  	v9 =	vadd.f32 v13, v12;
	v12 =	vmul.f32 v18, v18;
	v13 =	vld [tilespmem:s20+$0x11680];
	v16 =	vmul.f32 v16, v7  }
0x1e0: {  	v17 =	vmul.f32 v17, v17;
	v18 =	vpop (erf);
	(erf) = vrcp.f32 v20  }
0x1e1: {  	v9 =	vadd.f32 v12, v9;
	v11 =	vadd.f32 v16, v11;
	v16 =	vmul.f32 v18, v5  }
0x1e2: {  	v15 =	vmul.f32 v15, v15;
	v18 =	vld [tilespmem:s20+$0x11700]  }
0x1e3: {  	v9 =	vadd.f32 v17, v9;
	v12 =	vmul.f32 $5.000000000e-01, v11;
	v10 =	vadd.f32 v16, v10  }
0x1e4: {  	v11 =	vmul.f32 v13, v13;
	v13 =	vld [tilespmem:s20+$0x11780]  }
0x1e5: {  	v15 =	vadd.f32 v15, v9;
	v16 =	vpop (erf);
	(erf) = vrcp.f32 v12;
	v9 =	vmul.f32 $5.000000000e-01, v10  }
0x1e6: {  	v10 =	vld [tilespmem:s20+$0x11800];
	v16 =	vmul.f32 v16, v8  }
0x1e7: {  	v11 =	vadd.f32 v11, v15;
	v15 =	vmul.f32 v18, v18;
	v17 =	vpop (erf);
	(erf) = vrcp.f32 v9  }
0x1e8: {  	v14 =	vadd.f32 v16, v14;
	v16 =	vmul.f32 v17, v6  }
0x1e9: {  	v15 =	vadd.f32 v15, v11;
	v13 =	vmul.f32 v13, v13;
	v17 =	vpop (erf)  }
0x1ea: {  	v11 =	vmul.f32 $5.000000000e-01, v14;
	v14 =	vadd.f32 v16, v19;
	v16 =	vmul.f32 v17, v4;
	v4 =	vmovc v5;
	v5 =	vmovc v6  }
0x1eb: {  	v6 =	vmovc v7;
	v7 =	vmov v8;
	v13 =	vadd.f32 v13, v15;
	v15 =	vmul.f32 v10, v10  }
.Ltmp2:
0x1ec: {  	(erf) = vrcp.f32 v11;
	v10 =	vmul.f32 $5.000000000e-01, v14;
	v14 =	vadd.f32 v16, v20;
	(pc) =	sbr.rel @p0 .LBB2_6-.Ltmp2, $4  }
0x1ed: {  	v8 =	vadd.f32 v15, v13  }
0x1ee: {  	s21 =	sshra.s32 s22, $0x2;
	v16 =	vpop (erf);
	(erf) = vrcp.f32 v10;
	v17 =	vmul.f32 $5.000000000e-01, v14  }
0x1ef: {  	v13 =	vld [tilespmem:s21+$0x11080];
	v15 =	vadd.f32 $1.000000000e+00, v8;
	v16 =	vmul.f32 v16, v6  }
0x1f0: {  	s22 =	sadd.s32 $0x40, s22;
	v14 =	vpop (erf);
	[tilespmem:s15+$0x11000] =	vst v17;
	s15 =	smov.u32 s17;
	s17 =	smov.u32 s23  }
0x1f1: {  	v17 =	vld [tilespmem:s21+$0x11100];
	_ =	sdelay $0x1  }
0x1f2: {  	v18 =	vld [tilespmem:s21+$0x11180];
	_ =	sdelay $0x1  }
0x1f3: {  	v15 =	vmul.f32 $5.000000000e-01, v15;
	v12 =	vadd.f32 v16, v12;
	v55 =	vld [tilespmem:s21+$0x11200]  }
0x1f4: {  	v13 =	vmul.f32 v13, v13;
	v17 =	vmul.f32 v17, v17  }
0x1f5: {  	v19 =	vld [tilespmem:s21+$0x11280];
	v12 =	vmul.f32 $5.000000000e-01, v12  }
0x1f6: {  	(erf) = vrcp.f32 v15;
	v18 =	vmul.f32 v18, v18;
	v13 =	vadd.f32 v17, v13  }
0x1f7: {  	v56 =	vld [tilespmem:s21+$0x11300];
	(erf) = vrcp.f32 v12  }
0x1f8: {  	v57 =	vld [tilespmem:s21+$0x11380];
	v16 =	vmul.f32 v55, v55;
	v13 =	vadd.f32 v18, v13  }
0x1f9: {  	v14 =	vmul.f32 v14, v4;
	v58 =	vld [tilespmem:s21+$0x11400]  }
0x1fa: {  	v60 =	vld [tilespmem:s21+$0x11480];
	v19 =	vmul.f32 v19, v19;
	v13 =	vadd.f32 v16, v13  }
0x1fb: {  	v9 =	vadd.f32 v14, v9  }
0x1fc: {  	v24 =	vld [tilespmem:s21+$0x11500];
	v17 =	vmul.f32 v56, v56;
	v13 =	vadd.f32 v19, v13  }
0x1fd: {  	v59 =	vpop (erf);
	v9 =	vmul.f32 $5.000000000e-01, v9;
	v61 =	vmul.f32 v57, v57  }
0x1fe: {  	v14 =	vmul.f32 v58, v58;
	v20 =	vpop (erf);
	v16 =	vmul.f32 v59, v7;
	v13 =	vadd.f32 v17, v13  }
0x1ff: {  	v27 =	vmul.f32 v60, v60;
	v62 =	vmul.f32 v20, v5;
	v63 =	vpop (erf)  }
0x200: {  	v18 =	vmul.f32 v63, v8;
	v11 =	vadd.f32 v16, v11;
	v21 =	vpop (erf);
	v13 =	vadd.f32 v61, v13  }
0x201: {  	v26 =	vld [tilespmem:s21+$0x11580];
	v31 =	vmul.f32 v24, v24;
	v10 =	vadd.f32 v62, v10;
	v25 =	vmul.f32 v21, v6  }
0x202: {  	v15 =	vadd.f32 v18, v15;
	v11 =	vmul.f32 $5.000000000e-01, v11;
	v13 =	vadd.f32 v14, v13  }
0x203: {  	v30 =	vld [tilespmem:s21+$0x11600];
	(erf) = vrcp.f32 v9;
	v28 =	vmul.f32 $5.000000000e-01, v10;
	v29 =	vadd.f32 v25, v12  }
0x204: {  	v15 =	vmul.f32 $5.000000000e-01, v15;
	(erf) = vrcp.f32 v11;
	v13 =	vadd.f32 v27, v13  }
0x205: {  	v32 =	vld [tilespmem:s21+$0x11680];
	(erf) = vrcp.f32 v28;
	v16 =	vmul.f32 $5.000000000e-01, v29  }
0x206: {  	v17 =	vmul.f32 v26, v26;
	(erf) = vrcp.f32 v15;
	v13 =	vadd.f32 v31, v13  }
0x207: {  	v33 =	vld [tilespmem:s21+$0x11700];
	(erf) = vrcp.f32 v16  }
0x208: {  	v12 =	vmul.f32 v30, v30;
	v13 =	vadd.f32 v17, v13  }
0x209: {  	v34 =	vld [tilespmem:s21+$0x11780]  }
0x20a: {  	v36 =	vld [tilespmem:s21+$0x11800];
	v10 =	vmul.f32 v32, v32;
	v12 =	vadd.f32 v12, v13;
	_ =	sdelay $0x1  }
0x20b: {  	v38 =	vmul.f32 v33, v33;
	v35 =	vpop (erf);
	v10 =	vadd.f32 v10, v12  }
0x20c: {  	v37 =	vpop (erf);
	v13 =	vmul.f32 v35, v4  }
0x20d: {  	v41 =	vmul.f32 v34, v34;
	v39 =	vmul.f32 v37, v7;
	v40 =	vpop (erf);
	v10 =	vadd.f32 v38, v10  }
0x20e: {  	v19 =	vmul.f32 v36, v36;
	v42 =	vmul.f32 v40, v5;
	v43 =	vpop (erf);
	v9 =	vadd.f32 v13, v9  }
0x20f: {  	v11 =	vadd.f32 v39, v11;
	v14 =	vmul.f32 v43, v8;
	v44 =	vpop (erf);
	v12 =	vadd.f32 v41, v10  }
0x210: {  	v13 =	vadd.f32 v42, v28;
	v17 =	vmul.f32 v44, v6;
	v10 =	vmul.f32 $5.000000000e-01, v9  }
0x211: {  	v45 =	vmul.f32 $5.000000000e-01, v11;
	v46 =	vadd.f32 v14, v15;
	v9 =	vadd.f32 v19, v12  }
0x212: {  	v47 =	vmul.f32 $5.000000000e-01, v13;
	v48 =	vadd.f32 v17, v16;
	(erf) = vrcp.f32 v10  }
0x213: {  	v14 =	vmul.f32 $5.000000000e-01, v46;
	(erf) = vrcp.f32 v45;
	v49 =	vadd.f32 $1.000000000e+00, v9  }
0x214: {  	v13 =	vmul.f32 $5.000000000e-01, v48;
	(erf) = vrcp.f32 v47  }
0x215: {  	(erf) = vrcp.f32 v14;
	v50 =	vmul.f32 $5.000000000e-01, v49  }
0x216: {  	(erf) = vrcp.f32 v13  }
0x217: {  	(erf) = vrcp.f32 v50;
	_ =	sdelay $0x3  }
0x218: {  	v11 =	vpop (erf)  }
0x219: {  	v51 =	vpop (erf)  }
0x21a: {  	v16 =	vmul.f32 v51, v7;
	v52 =	vpop (erf)  }
0x21b: {  	v17 =	vmul.f32 v52, v5;
	v53 =	vpop (erf)  }
0x21c: {  	v16 =	vadd.f32 v16, v45;
	v54 =	vmul.f32 v53, v8;
	v55 =	vpop (erf)  }
0x21d: {  	v12 =	vadd.f32 v17, v47;
	v56 =	vmul.f32 v55, v6;
	v57 =	vpop (erf)  }
0x21e: {  	v16 =	vmul.f32 $5.000000000e-01, v16;
	v14 =	vadd.f32 v54, v14;
	v58 =	vmul.f32 v57, v9  }
0x21f: {  	v12 =	vmul.f32 $5.000000000e-01, v12;
	v13 =	vadd.f32 v56, v13  }
0x220: {  	(erf) = vrcp.f32 v16;
	v14 =	vmul.f32 $5.000000000e-01, v14;
	v15 =	vadd.f32 v58, v50  }
0x221: {  	(erf) = vrcp.f32 v12;
	v13 =	vmul.f32 $5.000000000e-01, v13  }
0x222: {  	(erf) = vrcp.f32 v14;
	v15 =	vmul.f32 $5.000000000e-01, v15  }
0x223: {  	(erf) = vrcp.f32 v13  }
0x224: {  	(erf) = vrcp.f32 v15;
	_ =	sdelay $0x4  }
0x225: {  	v59 =	vpop (erf)  }
0x226: {  	v17 =	vmul.f32 v59, v7;
	v60 =	vpop (erf)  }
0x227: {  	v18 =	vmul.f32 v60, v5;
	v61 =	vpop (erf)  }
0x228: {  	v16 =	vadd.f32 v17, v16;
	v62 =	vmul.f32 v61, v8;
	v63 =	vpop (erf)  }
0x229: {  	v12 =	vadd.f32 v18, v12;
	v21 =	vmul.f32 v63, v6;
	v22 =	vpop (erf)  }
0x22a: {  	v16 =	vmul.f32 $5.000000000e-01, v16;
	v14 =	vadd.f32 v62, v14;
	v23 =	vmul.f32 v22, v9  }
0x22b: {  	v12 =	vmul.f32 $5.000000000e-01, v12;
	v13 =	vadd.f32 v21, v13  }
0x22c: {  	(erf) = vrcp.f32 v16;
	v14 =	vmul.f32 $5.000000000e-01, v14;
	v15 =	vadd.f32 v23, v15  }
0x22d: {  	(erf) = vrcp.f32 v12;
	v13 =	vmul.f32 $5.000000000e-01, v13  }
0x22e: {  	(erf) = vrcp.f32 v14;
	v15 =	vmul.f32 $5.000000000e-01, v15  }
0x22f: {  	(erf) = vrcp.f32 v13  }
0x230: {  	(erf) = vrcp.f32 v15;
	_ =	sdelay $0x4  }
0x231: {  	v24 =	vpop (erf)  }
0x232: {  	v25 =	vpop (erf)  }
0x233: {  	v17 =	vmul.f32 v24, v7;
	v26 =	vpop (erf)  }
0x234: {  	v19 =	vmul.f32 v26, v8;
	v27 =	vpop (erf)  }
0x235: {  	v16 =	vadd.f32 v17, v16;
	v28 =	vmul.f32 v27, v6;
	v29 =	vpop (erf)  }
0x236: {  	v14 =	vadd.f32 v19, v14;
	v30 =	vmul.f32 v29, v9  }
0x237: {  	v16 =	vmul.f32 $5.000000000e-01, v16;
	v13 =	vadd.f32 v28, v13  }
0x238: {  	v14 =	vmul.f32 $5.000000000e-01, v14;
	v15 =	vadd.f32 v30, v15  }
0x239: {  	(erf) = vrcp.f32 v16;
	v13 =	vmul.f32 $5.000000000e-01, v13  }
0x23a: {  	(erf) = vrcp.f32 v14;
	v15 =	vmul.f32 $5.000000000e-01, v15  }
0x23b: {  	(erf) = vrcp.f32 v13  }
0x23c: {  	(erf) = vrcp.f32 v15;
	_ =	sdelay $0x5  }
0x23d: {  	v31 =	vpop (erf)  }
0x23e: {  	v17 =	vmul.f32 v31, v7;
	v32 =	vpop (erf)  }
0x23f: {  	v19 =	vmul.f32 v32, v8;
	v33 =	vpop (erf)  }
0x240: {  	v16 =	vadd.f32 v17, v16;
	v34 =	vmul.f32 v33, v6;
	v35 =	vpop (erf)  }
0x241: {  	v14 =	vadd.f32 v19, v14;
	v36 =	vmul.f32 v35, v9  }
0x242: {  	v16 =	vmul.f32 $5.000000000e-01, v16;
	v13 =	vadd.f32 v34, v13  }
0x243: {  	v14 =	vmul.f32 $5.000000000e-01, v14;
	v15 =	vadd.f32 v36, v15  }
0x244: {  	(erf) = vrcp.f32 v16;
	v13 =	vmul.f32 $5.000000000e-01, v13  }
0x245: {  	(erf) = vrcp.f32 v14;
	v15 =	vmul.f32 $5.000000000e-01, v15  }
0x246: {  	(erf) = vrcp.f32 v13  }
0x247: {  	(erf) = vrcp.f32 v15;
	_ =	sdelay $0x5  }
0x248: {  	v37 =	vpop (erf)  }
0x249: {  	v38 =	vpop (erf)  }
0x24a: {  	v17 =	vmul.f32 v37, v7;
	v39 =	vpop (erf)  }
0x24b: {  	v19 =	vmul.f32 v38, v8;
	v40 =	vpop (erf)  }
0x24c: {  	v16 =	vadd.f32 v17, v16;
	v41 =	vmul.f32 v40, v9  }
0x24d: {  	v14 =	vadd.f32 v19, v14  }
0x24e: {  	v16 =	vmul.f32 $5.000000000e-01, v16;
	v15 =	vadd.f32 v41, v15  }
0x24f: {  	v14 =	vmul.f32 $5.000000000e-01, v14  }
0x250: {  	(erf) = vrcp.f32 v16;
	v15 =	vmul.f32 $5.000000000e-01, v15  }
0x251: {  	(erf) = vrcp.f32 v14  }
0x252: {  	(erf) = vrcp.f32 v15;
	_ =	sdelay $0x6  }
0x253: {  	v42 =	vpop (erf)  }
0x254: {  	v17 =	vmul.f32 v42, v7;
	v43 =	vpop (erf)  }
0x255: {  	v19 =	vmul.f32 v43, v8;
	v44 =	vpop (erf)  }
0x256: {  	v16 =	vadd.f32 v17, v16;
	v45 =	vmul.f32 v44, v9  }
0x257: {  	v14 =	vadd.f32 v19, v14  }
0x258: {  	v16 =	vmul.f32 $5.000000000e-01, v16;
	v15 =	vadd.f32 v45, v15  }
0x259: {  	v14 =	vmul.f32 $5.000000000e-01, v14  }
0x25a: {  	(erf) = vrcp.f32 v16;
	v15 =	vmul.f32 $5.000000000e-01, v15  }
0x25b: {  	(erf) = vrcp.f32 v14  }
0x25c: {  	(erf) = vrcp.f32 v15;
	_ =	sdelay $0x6  }
0x25d: {  	v46 =	vpop (erf)  }
0x25e: {  	v17 =	vmul.f32 v46, v7;
	v47 =	vpop (erf)  }
0x25f: {  	v19 =	vmul.f32 v47, v8;
	v48 =	vpop (erf)  }
0x260: {  	v16 =	vadd.f32 v17, v16;
	v49 =	vmul.f32 v48, v9  }
0x261: {  	v14 =	vadd.f32 v19, v14  }
0x262: {  	v16 =	vmul.f32 $5.000000000e-01, v16;
	v15 =	vadd.f32 v49, v15  }
0x263: {  	v14 =	vmul.f32 $5.000000000e-01, v14  }
0x264: {  	(erf) = vrcp.f32 v16;
	v15 =	vmul.f32 $5.000000000e-01, v15  }
0x265: {  	(erf) = vrcp.f32 v14  }
0x266: {  	(erf) = vrcp.f32 v15;
	_ =	sdelay $0x6  }
0x267: {  	v50 =	vpop (erf)  }
0x268: {  	v51 =	vpop (erf)  }
0x269: {  	v19 =	vmul.f32 v51, v8;
	v52 =	vpop (erf)  }
0x26a: {  	v21 =	vmul.f32 v52, v9  }
0x26b: {  	v14 =	vadd.f32 v19, v14  }
0x26c: {  	v15 =	vadd.f32 v21, v15  }
0x26d: {  	v14 =	vmul.f32 $5.000000000e-01, v14  }
0x26e: {  	v15 =	vmul.f32 $5.000000000e-01, v15  }
0x26f: {  	(erf) = vrcp.f32 v14  }
0x270: {  	(erf) = vrcp.f32 v15;
	_ =	sdelay $0x7  }
0x271: {  	v53 =	vpop (erf)  }
0x272: {  	v19 =	vmul.f32 v53, v8;
	v54 =	vpop (erf)  }
0x273: {  	v21 =	vmul.f32 v54, v9  }
0x274: {  	v14 =	vadd.f32 v19, v14  }
0x275: {  	v15 =	vadd.f32 v21, v15  }
0x276: {  	v14 =	vmul.f32 $5.000000000e-01, v14  }
0x277: {  	v15 =	vmul.f32 $5.000000000e-01, v15  }
0x278: {  	(erf) = vrcp.f32 v14  }
0x279: {  	(erf) = vrcp.f32 v15;
	_ =	sdelay $0x7  }
0x27a: {  	v55 =	vpop (erf)  }
0x27b: {  	v56 =	vpop (erf)  }
0x27c: {  	v21 =	vmul.f32 v56, v9;
	_ =	sdelay $0x1  }
0x27d: {  	v15 =	vadd.f32 v21, v15;
	_ =	sdelay $0x1  }
0x27e: {  	v15 =	vmul.f32 $5.000000000e-01, v15;
	_ =	sdelay $0x1  }
0x27f: {  	(erf) = vrcp.f32 v15;
	_ =	sdelay $0x8  }
0x280: {  	v57 =	vpop (erf)  }
0x281: {  	v21 =	vmul.f32 v57, v9;
	_ =	sdelay $0x1  }
0x282: {  	v15 =	vadd.f32 v21, v15;
	_ =	sdelay $0x1  }
0x283: {  	v15 =	vmul.f32 $5.000000000e-01, v15;
	_ =	sdelay $0x1  }
0x284: {  	(erf) = vrcp.f32 v15;
	_ =	sdelay $0x4  }
0x285: {  	v4 =	vmul.f32 v11, v4  }
0x286: {  	v5 =	vmul.f32 v25, v5  }
0x287: {  	v4 =	vadd.f32 v4, v10;
	v58 =	vmul.f32 v39, v6  }
0x288: {  	v5 =	vadd.f32 v5, v12;
	v59 =	vmul.f32 v50, v7  }
0x289: {  	v4 =	vmul.f32 $5.000000000e-01, v4;
	v6 =	vadd.f32 v58, v13;
	v60 =	vmul.f32 v55, v8;
	v61 =	vpop (erf)  }
0x28a: {  	v5 =	vmul.f32 $5.000000000e-01, v5;
	v7 =	vadd.f32 v59, v16;
	v9 =	vmul.f32 v61, v9  }
0x28b: {  	[tilespmem:s15+$0x11000] =	vst v4;
	v4 =	vmul.f32 $5.000000000e-01, v6;
	v62 =	vadd.f32 v60, v14  }
0x28c: {  	[tilespmem:s17+$0x11000] =	vst v5;
	v5 =	vmul.f32 $5.000000000e-01, v7;
	v63 =	vadd.f32 v9, v15  }
0x28d: {  	[tilespmem:s18+$0x11000] =	vst v4;
	v4 =	vmul.f32 $5.000000000e-01, v62  }
0x28e: {  	[tilespmem:s19+$0x11000] =	vst v5;
	v5 =	vmul.f32 $5.000000000e-01, v63  }
0x28f: {  	[tilespmem:s20+$0x11000] =	vst v4  }
0x290: {  	[tilespmem:s21+$0x11000] =	vst v5  }
.LBB2_8:
0x291: {  	v4 =	vmov s16  }
0x292: {  	v5 =	vor.u32 $0x80, v4  }
0x293: {  	v6 =	vor.u32 $0x100, v4  }
0x294: {  	v7 =	vor.u32 $0x180, v4  }
0x295: {  	v8 =	vor.u32 $0x200, v4  }
0x296: {  	v9 =	vor.u32 $0x280, v4;
	v21 =	vld.idx.msk [tilespmem:v4+s11+$0x0], $0xffff  }
0x297: {  	v23 =	vld.idx.msk [tilespmem:v5+s11+$0x0], $0xffff;
	v5 =	vor.u32 $0x300, v4  }
0x298: {  	v22 =	vld.idx.msk [tilespmem:v6+s11+$0x0], $0xffff;
	v6 =	vor.u32 $0x380, v4  }
0x299: {  	v20 =	vld.idx.msk [tilespmem:v7+s11+$0x0], $0xffff;
	v7 =	vor.u32 $0x400, v4  }
0x29a: {  	v19 =	vld.idx.msk [tilespmem:v8+s11+$0x0], $0xffff;
	v8 =	vor.u32 $0x480, v4  }
0x29b: {  	v17 =	vld.idx.msk [tilespmem:v9+s11+$0x0], $0xffff;
	v9 =	vor.u32 $0x500, v4  }
0x29c: {  	s15 =	sor.u32 s4, s16;
	v10 =	vor.u32 $0x580, v4;
	v18 =	vld.idx.msk [tilespmem:v5+s11+$0x0], $0xffff  }
0x29d: {  	v16 =	vld.idx.msk [tilespmem:v6+s11+$0x0], $0xffff;
	v6 =	vor.u32 $0x600, v4;
	v5 =	vmov s15  }
0x29e: {  	v15 =	vld.idx.msk [tilespmem:v7+s11+$0x0], $0xffff;
	v7 =	vor.u32 $0x680, v4;
	v11 =	vshll.u32 v5, $0x3  }
0x29f: {  	v14 =	vld.idx.msk [tilespmem:v8+s11+$0x0], $0xffff;
	v8 =	vor.u32 $0x700, v4;
	v12 =	vand.u32 $0x7F, v5;
	v11 =	vand.u32 $0x7FFFFC00, v11  }
0x2a0: {  	v24 =	vor.u32 $0x780, v4;
	v13 =	vld.idx.msk [tilespmem:v9+s11+$0x0], $0xffff;
	v9 =	vor.u32 v12, v11  }
0x2a1: {  	v12 =	vld.idx.msk [tilespmem:v10+s11+$0x0], $0xffff;
	v25 =	vadd.s32 v1, v9  }
0x2a2: {  	v26 =	vor.u32 s16, v2;
	v11 =	vld.idx.msk [tilespmem:v6+s11+$0x0], $0xffff  }
0x2a3: {  	v10 =	vld.idx.msk [tilespmem:v7+s11+$0x0], $0xffff  }
0x2a4: {  	v9 =	vld.idx.msk [tilespmem:v8+s11+$0x0], $0xffff  }
0x2a5: {  	s17 =	simm.s32 $0x0;
	v6 =	vld.idx.msk [tilespmem:v24+s11+$0x0], $0xffff  }
0x2a6: {  	s18 =	sand.u32 $0x70, s17;
	s15 =	simm.s32 $0x10000;
	v7 =	vld.idx.msk [tilespmem:v25+s17+$0x0], $0xffff;
	s17 =	sand.u32 $0x7C00, s17  }
0x2a7: {  	v8 =	vld.idx.msk [tilespmem:v26+s11+$0x0], $0xffff;
	[tilespmem:v5+s15+$0x0] =	vst.idx.msk $0x1, v3;
	s18 =	sor.u32 s18, s17  }
0x2a8: {  	v24 =	vld [tilespmem:s18+$0x0]  }
0x2a9: {  	v25 =	vld [tilespmem:s18+$0x80];
	_ =	sdelay $0x1  }
0x2aa: {  	v26 =	vld [tilespmem:s18+$0x100];
	_ =	sdelay $0x1  }
0x2ab: {  	v27 =	vld [tilespmem:s18+$0x180]  }
0x2ac: {  	v24 =	vmul.f32 v24, v21;
	v25 =	vmul.f32 v25, v23  }
0x2ad: {  	v28 =	vld [tilespmem:s18+$0x200]  }
0x2ae: {  	v24 =	vadd.f32 v25, v24;
	v25 =	vmul.f32 v26, v22  }
0x2af: {  	v26 =	vld [tilespmem:s18+$0x280]  }
0x2b0: {  	v24 =	vadd.f32 v25, v24;
	v25 =	vmul.f32 v27, v20  }
0x2b1: {  	v27 =	vld [tilespmem:s18+$0x300]  }
0x2b2: {  	v24 =	vadd.f32 v25, v24;
	v25 =	vmul.f32 v28, v19  }
0x2b3: {  	s30 =	simm.s32 $0x10;
	s19 =	simm.s32 $0x80;
	v28 =	vld [tilespmem:s18+$0x380]  }
0x2b4: {  	s19 =	sand.u32 $0x7C00, s19;
	s17 =	sand.u32 $0x70, s30;
	v24 =	vadd.f32 v25, v24;
	v25 =	vmul.f32 v26, v17  }
0x2b5: {  	s17 =	sor.u32 s17, s19;
	v26 =	vld [tilespmem:s18+$0x8000]  }
0x2b6: {  	v29 =	vld [tilespmem:s17+$0x0];
	v24 =	vadd.f32 v25, v24;
	v25 =	vmul.f32 v27, v18  }
0x2b7: {  	v27 =	vld [tilespmem:s18+$0x8080]  }
0x2b8: {  	v30 =	vld [tilespmem:s17+$0x80];
	v24 =	vadd.f32 v25, v24;
	v25 =	vmul.f32 v28, v16  }
0x2b9: {  	v28 =	vld [tilespmem:s18+$0x8100]  }
0x2ba: {  	v31 =	vld [tilespmem:s17+$0x100];
	v24 =	vadd.f32 v25, v24;
	v25 =	vmul.f32 v26, v15  }
0x2bb: {  	v26 =	vld [tilespmem:s18+$0x8180]  }
0x2bc: {  	v32 =	vld [tilespmem:s17+$0x180];
	v24 =	vadd.f32 v25, v24;
	v25 =	vmul.f32 v27, v14  }
0x2bd: {  	v27 =	vmul.f32 v29, v21;
	v29 =	vmul.f32 v30, v23;
	v30 =	vld [tilespmem:s18+$0x8200]  }
0x2be: {  	v33 =	vld [tilespmem:s17+$0x200];
	v24 =	vadd.f32 v25, v24;
	v25 =	vmul.f32 v28, v13  }
0x2bf: {  	v27 =	vadd.f32 v29, v27;
	v28 =	vmul.f32 v31, v22;
	v31 =	vld [tilespmem:s18+$0x8280]  }
0x2c0: {  	v34 =	vld [tilespmem:s17+$0x280];
	v24 =	vadd.f32 v25, v24;
	v25 =	vmul.f32 v26, v12  }
0x2c1: {  	v26 =	vadd.f32 v28, v27;
	v27 =	vmul.f32 v32, v20;
	v28 =	vld [tilespmem:s18+$0x8300]  }
0x2c2: {  	v35 =	vld [tilespmem:s17+$0x300];
	v24 =	vadd.f32 v25, v24;
	v25 =	vmul.f32 v30, v11  }
0x2c3: {  	v27 =	vadd.f32 v27, v26;
	v30 =	vmul.f32 v33, v19;
	v26 =	vld [tilespmem:s18+$0x8380]  }
0x2c4: {  	v29 =	vld [tilespmem:s17+$0x380];
	v31 =	vmul.f32 v31, v10;
	v63 =	vadd.f32 v25, v24  }
0x2c5: {  	s31 =	simm.s32 $0x20;
	s19 =	simm.s32 $0x100;
	v34 =	vmul.f32 v34, v17;
	v33 =	vadd.f32 v30, v27;
	v25 =	vld [tilespmem:s15+$0x0]  }
0x2c6: {  	s20 =	sand.u32 $0x7C00, s19;
	s18 =	sand.u32 $0x70, s31;
	v30 =	vld [tilespmem:s17+$0x8000];
	v28 =	vmul.f32 v28, v9;
	v27 =	vadd.f32 v31, v63  }
0x2c7: {  	s18 =	sor.u32 s18, s20;
	s20 =	simm.s32 $0x30;
	v24 =	vimm.f32 $+Inf;
	v32 =	vadd.f32 v34, v33;
	v33 =	vmul.f32 v35, v18;
	v31 =	vld [tilespmem:s17+$0x8080]  }
.LBB2_9:
0x2c8: {  	p0 =	sne.s32 s20, $0xFF0;
	v34 =	vld [tilespmem:s18+$0x0];
	v27 =	vadd.f32 v28, v27;
	v26 =	vmul.f32 v26, v6  }
0x2c9: {  	v28 =	vld [tilespmem:s18+$0x80];
	v32 =	vadd.f32 v33, v32;
	v29 =	vmul.f32 v29, v16  }
0x2ca: {  	v33 =	vld [tilespmem:s17+$0x8100];
	v26 =	vadd.f32 v26, v27  }
0x2cb: {  	v27 =	vld [tilespmem:s18+$0x100];
	v29 =	vadd.f32 v29, v32;
	v30 =	vmul.f32 v30, v15  }
0x2cc: {  	v32 =	vld [tilespmem:s17+$0x8180];
	v25 =	vadd.f32 v26, v25  }
0x2cd: {  	v26 =	vld [tilespmem:s18+$0x180];
	v29 =	vadd.f32 v30, v29;
	v30 =	vmul.f32 v31, v14  }
0x2ce: {  	v31 =	vmul.f32 v34, v21;
	v28 =	vmul.f32 v28, v23;
	v34 =	vld [tilespmem:s17+$0x8200];
	v24 =	vmin.f32 v24, v25  }
0x2cf: {  	v25 =	vld [tilespmem:s18+$0x200];
	v29 =	vadd.f32 v30, v29;
	v30 =	vmul.f32 v33, v13  }
0x2d0: {  	v28 =	vadd.f32 v28, v31;
	v27 =	vmul.f32 v27, v22;
	v31 =	vld [tilespmem:s17+$0x8280]  }
0x2d1: {  	v33 =	vld [tilespmem:s18+$0x280];
	v29 =	vadd.f32 v30, v29;
	v30 =	vmul.f32 v32, v12  }
0x2d2: {  	v27 =	vadd.f32 v27, v28;
	v26 =	vmul.f32 v26, v20;
	v28 =	vld [tilespmem:s17+$0x8300]  }
0x2d3: {  	v35 =	vld [tilespmem:s18+$0x300];
	v30 =	vadd.f32 v30, v29;
	v32 =	vmul.f32 v34, v11  }
.Ltmp3:
0x2d4: {  	v27 =	vadd.f32 v26, v27;
	v25 =	vmul.f32 v25, v19;
	v26 =	vld [tilespmem:s17+$0x8380];
	s17 =	smov.u32 s18;
	(pc) =	sbr.rel @p0 .LBB2_9-.Ltmp3, $4  }
0x2d5: {  	s15 =	sadd.s32 $0x10, s15;
	v29 =	vld [tilespmem:s17+$0x380];
	v32 =	vadd.f32 v32, v30;
	v31 =	vmul.f32 v31, v10  }
0x2d6: {  	s19 =	sadd.s32 $0x80, s19;
	v34 =	vadd.f32 v25, v27;
	v33 =	vmul.f32 v33, v17;
	v25 =	vld [tilespmem:s15+$0x0]  }
0x2d7: {  	s21 =	sand.u32 $0x7C00, s19;
	s18 =	sand.u32 $0x70, s20;
	v30 =	vld [tilespmem:s17+$0x8000];
	v27 =	vadd.f32 v31, v32;
	v28 =	vmul.f32 v28, v9  }
0x2d8: {  	s20 =	sadd.s32 $0x10, s20;
	s18 =	sor.u32 s18, s21;
	v32 =	vadd.f32 v33, v34;
	v33 =	vmul.f32 v35, v18;
	v31 =	vld [tilespmem:s17+$0x8080]  }
0x2d9: {  	v34 =	vld [tilespmem:s18+$0x0]  }
0x2da: {  	v35 =	vld [tilespmem:s18+$0x80];
	_ =	sdelay $0x1  }
0x2db: {  	v36 =	vld [tilespmem:s18+$0x100];
	_ =	sdelay $0x1  }
0x2dc: {  	v37 =	vld [tilespmem:s18+$0x180]  }
0x2dd: {  	v21 =	vmul.f32 v34, v21;
	v23 =	vmul.f32 v35, v23  }
0x2de: {  	v43 =	vld [tilespmem:s18+$0x200]  }
0x2df: {  	v22 =	vmul.f32 v36, v22;
	v21 =	vadd.f32 v23, v21  }
0x2e0: {  	v44 =	vld [tilespmem:s18+$0x280]  }
0x2e1: {  	v20 =	vmul.f32 v37, v20;
	v21 =	vadd.f32 v22, v21  }
0x2e2: {  	v45 =	vld [tilespmem:s18+$0x300]  }
0x2e3: {  	v19 =	vmul.f32 v43, v19;
	v20 =	vadd.f32 v20, v21  }
0x2e4: {  	v46 =	vld [tilespmem:s18+$0x380]  }
0x2e5: {  	v17 =	vmul.f32 v44, v17;
	v19 =	vadd.f32 v19, v20  }
0x2e6: {  	v47 =	vld [tilespmem:s18+$0x8000]  }
0x2e7: {  	v18 =	vmul.f32 v45, v18;
	v17 =	vadd.f32 v17, v19  }
0x2e8: {  	v50 =	vld [tilespmem:s18+$0x8080];
	v48 =	vadd.f32 v33, v32;
	v49 =	vmul.f32 v29, v16  }
0x2e9: {  	v51 =	vld [tilespmem:s17+$0x8100];
	v52 =	vmul.f32 v46, v16;
	v17 =	vadd.f32 v18, v17  }
0x2ea: {  	v55 =	vld [tilespmem:s18+$0x8100];
	v53 =	vadd.f32 v49, v48;
	v54 =	vmul.f32 v30, v15  }
0x2eb: {  	v56 =	vld [tilespmem:s17+$0x8180];
	v57 =	vmul.f32 v47, v15;
	v16 =	vadd.f32 v52, v17  }
0x2ec: {  	v60 =	vld [tilespmem:s18+$0x8180];
	v59 =	vmul.f32 v31, v14;
	v58 =	vadd.f32 v54, v53  }
0x2ed: {  	v61 =	vld [tilespmem:s17+$0x8200];
	v62 =	vmul.f32 v50, v14;
	v15 =	vadd.f32 v57, v16  }
0x2ee: {  	v30 =	vld [tilespmem:s18+$0x8200];
	v29 =	vmul.f32 v51, v13;
	v63 =	vadd.f32 v59, v58  }
0x2ef: {  	v31 =	vld [tilespmem:s17+$0x8280];
	v32 =	vmul.f32 v55, v13;
	v14 =	vadd.f32 v62, v15  }
0x2f0: {  	v34 =	vmul.f32 v56, v12;
	v35 =	vld [tilespmem:s18+$0x8280];
	v33 =	vadd.f32 v29, v63  }
0x2f1: {  	v36 =	vld [tilespmem:s17+$0x8300];
	v37 =	vmul.f32 v60, v12;
	v13 =	vadd.f32 v32, v14  }
0x2f2: {  	v40 =	vld [tilespmem:s18+$0x8300];
	v39 =	vmul.f32 v61, v11;
	v38 =	vadd.f32 v34, v33  }
0x2f3: {  	v41 =	vld [tilespmem:s17+$0x8380];
	v42 =	vmul.f32 v30, v11;
	v12 =	vadd.f32 v37, v13  }
0x2f4: {  	v45 =	vld [tilespmem:s18+$0x8380];
	v44 =	vmul.f32 v31, v10;
	v43 =	vadd.f32 v39, v38  }
0x2f5: {  	v47 =	vmul.f32 v35, v10;
	v11 =	vadd.f32 v42, v12  }
0x2f6: {  	s15 =	sadd.s32 $0x10, s15;
	v48 =	vmul.f32 v26, v6;
	v49 =	vmul.f32 v36, v9;
	v13 =	vadd.f32 v44, v43  }
0x2f7: {  	v46 =	vadd.f32 v28, v27;
	v50 =	vld [tilespmem:s15+$0x0];
	s15 =	sadd.s32 $0x10, s15;
	v51 =	vmul.f32 v40, v9;
	v10 =	vadd.f32 v47, v11  }
0x2f8: {  	v7 =	vmul.f32 v8, v7;
	v54 =	vmul.f32 v41, v6;
	v55 =	vld [tilespmem:s15+$0x0];
	v53 =	vadd.f32 v49, v13  }
0x2f9: {  	v56 =	vmul.f32 v45, v6;
	v52 =	vadd.f32 v48, v46;
	v9 =	vadd.f32 v51, v10  }
0x2fa: {  	v57 =	vadd.f32 v54, v53  }
0x2fb: {  	(xrf2) =	vadd.scan.msk.f32 $0xffff, v7;
	v58 =	vadd.f32 v52, v25;
	v6 =	vadd.f32 v56, v9  }
0x2fc: {  	v59 =	vadd.f32 v57, v50  }
0x2fd: {  	v60 =	vmin.f32 v24, v58;
	v6 =	vadd.f32 v6, v55  }
0x2fe: {  	v7 =	vmin.f32 v60, v59  }
0x2ff: {  	v6 =	vmin.f32 v7, v6  }
0x300: {  	(xrf0) =	vmin.scan.msk.f32 $0xffff, v6;
	_ =	sdelay $0x2  }
0x301: {  	s16 =	sadd.s32 $0x1, s16;
	v61 =	vor.u32 $0x800, v4  }
0x302: {  	p0 =	sne.s32 s16, $0x80;
	v4 =	vor.u32 $0x880, v4  }
.Ltmp4:
0x303: {  	v62, _, _ =	vpop (xrf2);
	(pc) =	sbr.rel @p0 .LBB2_8-.Ltmp4, $4  }
0x304: {  	v7 =	vbroadcast v62, $0xF;
	v63, _, _ =	vpop (xrf0)  }
0x305: {  	[tilespmem:v5+s12+$0x0] =	vst.idx.msk $0x1, v0;
	v5 =	vbroadcast v63, $0xF  }
0x306: {  	[tilespmem:v61+s11+$0x0] =	vst.idx.msk $0x1, v7  }
0x307: {  	[tilespmem:v4+s11+$0x0] =	vst.idx.msk $0x1, v5  }
0x308: {  	v4 =	vld [tilespmem:$0x11880]  }
0x309: {  	v5 =	vld [tilespmem:$0x11900]  }
0x30a: {  	v6 =	vld [tilespmem:$0x11000]  }
0x30b: {  	v7 =	vld [tilespmem:$0x11890]  }
0x30c: {  	v8 =	vld [tilespmem:$0x11910]  }
0x30d: {  	v9 =	vld [tilespmem:$0x11010]  }
0x30e: {  	v10 =	vld [tilespmem:$0x118A0]  }
0x30f: {  	v11 =	vld [tilespmem:$0x11920]  }
0x310: {  	v12 =	vld [tilespmem:$0x11020]  }
0x311: {  	v13 =	vld [tilespmem:$0x11030]  }
0x312: {  	v14 =	vld [tilespmem:$0x11040]  }
0x313: {  	v43 =	vld [tilespmem:$0x11050]  }
0x314: {  	v44 =	vld [tilespmem:$0x118B0];
	(erf) = vrcp.f32 v6  }
0x315: {  	v45 =	vld [tilespmem:$0x11930]  }
0x316: {  	v46 =	vld [tilespmem:$0x11060];
	(erf) = vrcp.f32 v9  }
0x317: {  	v47 =	vld [tilespmem:$0x11070];
	(erf) = vrcp.f32 v12  }
0x318: {  	v15 =	vld [tilespmem:$0x118C0];
	(erf) = vrcp.f32 v13  }
0x319: {  	v48 =	vld [tilespmem:$0x11940];
	(erf) = vrcp.f32 v14  }
0x31a: {  	v16 =	vld [tilespmem:$0x118D0];
	(erf) = vrcp.f32 v43  }
0x31b: {  	v17 =	vld [tilespmem:$0x11950]  }
0x31c: {  	v18 =	vld [tilespmem:$0x118E0];
	(erf) = vrcp.f32 v46  }
0x31d: {  	v4 =	vsub.f32 v4, v5;
	v5 =	vld [tilespmem:$0x11960];
	v49 =	vpop (erf);
	(erf) = vrcp.f32 v47;
	_ =	sdelay $0x1  }
0x31e: {  	v51 =	vld [tilespmem:$0x118F0];
	v7 =	vsub.f32 v7, v8;
	v50 =	vpop (erf)  }
0x31f: {  	v52 =	vld [tilespmem:$0x11970];
	v10 =	vsub.f32 v10, v11;
	v6 =	vsub.f32 v15, v48;
	v4 =	vmul.f32 v49, v4;
	v19 =	vpop (erf)  }
0x320: {  	v54 =	vsub.f32 v16, v17;
	v9 =	vsub.f32 v44, v45;
	v7 =	vmul.f32 v50, v7;
	v20 =	vpop (erf)  }
0x321: {  	v5 =	vsub.f32 v18, v5;
	v10 =	vmul.f32 v19, v10;
	v4 =	vadd.f32 $1.000000000e+00, v4;
	v53 =	vpop (erf)  }
0x322: {  	v9 =	vmul.f32 v20, v9;
	v7 =	vadd.f32 $1.000000000e+00, v7;
	v55 =	vpop (erf);
	v6 =	vmul.f32 v53, v6  }
0x323: {  	v4 =	vmax.f32 v4, $0.0e+00;
	v10 =	vadd.f32 $1.000000000e+00, v10;
	v56 =	vmul.f32 v55, v54  }
0x324: {  	v57 =	vpop (erf);
	[tilespmem:$0x11980] =	vst v4;
	v4 =	vsub.f32 v51, v52;
	v7 =	vmax.f32 v7, $0.0e+00;
	v58 =	vadd.f32 $1.000000000e+00, v9  }
0x325: {  	[tilespmem:$0x11990] =	vst v7;
	v59 =	vmax.f32 v10, $0.0e+00;
	v6 =	vadd.f32 $1.000000000e+00, v6;
	v5 =	vmul.f32 v57, v5;
	v60 =	vpop (erf)  }
0x326: {  	[tilespmem:$0x119A0] =	vst v59;
	v61 =	vmax.f32 v58, $0.0e+00;
	v62 =	vadd.f32 $1.000000000e+00, v56;
	v4 =	vmul.f32 v60, v4  }
0x327: {  	[tilespmem:$0x119B0] =	vst v61;
	v6 =	vmax.f32 v6, $0.0e+00;
	v5 =	vadd.f32 $1.000000000e+00, v5  }
0x328: {  	[tilespmem:$0x119C0] =	vst v6;
	v63 =	vmax.f32 v62, $0.0e+00;
	v4 =	vadd.f32 $1.000000000e+00, v4  }
0x329: {  	s14 =	sadd.s32 $0x1, s14;
	[tilespmem:$0x119D0] =	vst v63;
	v5 =	vmax.f32 v5, $0.0e+00  }
0x32a: {  	p0 =	sne.s32 s14, s7;
	[tilespmem:$0x119E0] =	vst v5;
	v4 =	vmax.f32 v4, $0.0e+00  }
.Ltmp5:
0x32b: {  	[tilespmem:$0x119F0] =	vst v4;
	(pc) =	sbr.rel @p0 .LBB2_1-.Ltmp5, $4  }
0x32c: {  	[hbm4b:s6+s2] =	stream.linear.scatter [tilespmem:s13], [sflag:$0x1], $0x80, $0x38;
	[tilespmem:$0x11C80] =	vst v63  }
0x32d: {  	_ =	swait.ge [sflag:s8], $0x80  }
0x32e: {  	[sflag:s8] =	ssyncset.done $0x0  }
0x32f: {  	[sflag:s8] =	ssyncadd.s32 $0xFFFFFF80  }
0x330: {  	_ =	sfence.sel $0x180000  }
0x331: {  	[bflag:$0x0] =	sbarrier.arrive $0xFFFF  }
0x332: {  	p0 =	sne.s32 s3, $0x0;
	_ =	strace $0x90000047  }
0x333: {  	s0 =	sadd.s32 @!p0 $0x100000, s0;
	[bflag:$0x2] =	sbarrier.arrive $0xFFFF  }
0x334: {  	[sflag:s0] =	ssyncadd.tile.s32 @!p0 $0x1;
	_ =	shalt  }
.Lfunc_end2:
_tile_overlayer_lowered:
.L_overlay_start_2:
0x335: {  	(tag) =	ssettag $0x2  }
0x336: {  	s0 =	rddreg [dreg:$0x0];
	s2 =	stileid.u32  }
0x337: {  	s1 =	rddreg [dreg:$0x1];
	p0 =	sne.s32 s2, $0x0  }
0x338: {  	s3 =	rddreg [dreg:$0x2];
	[bflag:$0x3] =	sbarrier.arrive $0xFFFF;
	s2 =	simm.s32 @!p0 $0x1C01  }
0x339: {  	[timem:s3], [sflag:s2] =	dma.local @!p0 [hbm:s0], s1  }
0x33a: {  	s0 =	simm.s32 @!p0 $0x1  }
0x33b: {  	_ =	swait.ge @!p0 [sflag:s0], s1  }
0x33c: {  	s1 =	ssub.s32 @!p0 $0x0, s1;
	[sflag:s0] =	ssyncset.done @!p0 $0x0  }
0x33d: {  	[sflag:s0] =	ssyncadd.s32 @!p0 s1  }
0x33e: {  	[bflag:$0x3] =	sbarrier.arrive $0xFFFF  }
0x33f: {  	_ =	shalt  }

</sc_bundles>
